<compile_context>
chip_gen: v7x
topology: tpu7x:2x2x1
jax: 0.10.2.dev20260603
libtpu: 0.0.44.dev20260713+nightly
codegen_flags: <defaults>
</compile_context>

<pallas_src>
import functools

import jax
import jax.numpy as jnp
from jax import lax
from jax.experimental import pallas as pl
from jax.experimental.pallas import tpu as pltpu
from jax.experimental.pallas import tpu_sc as plsc

_NC = 2
_NS = 16
_NW = _NC * _NS

_K = 3
_M = 200000
_D = 128
_C = 400
_G = 80
_NG = _C // _G
_CPP = _M // _C
_NCHUNKS = _K * _CPP
_NSLOTS = 48


def _tri_gather_body(idx_hbm, nodes_hbm, out_hbm,
                     idx0, idx1, rows0, rows1,
                     semi0, semi1, semg0, semg1, semo0, semo1):
    wid = lax.axis_index("s") * _NC + lax.axis_index("c")
    idx_bufs = (idx0, idx1)
    row_bufs = (rows0, rows1)
    sem_i = (semi0, semi1)
    sem_g = (semg0, semg1)
    sem_o = (semo0, semo1)

    def chunk_of(s):
        return wid + s * _NW

    def valid(s):
        return (s >= 0) & (chunk_of(s) < _NCHUNKS)

    def start_idx(s, b):
        @pl.when(valid(s))
        def _():
            pltpu.async_copy(
                idx_hbm.at[pl.ds(chunk_of(s) * _C, _C)], idx_bufs[b], sem_i[b]
            )

    def wait_idx(s, b):
        @pl.when(valid(s))
        def _():
            pltpu.make_async_copy(
                idx_hbm.at[pl.ds(0, _C)], idx_bufs[b], sem_i[b]
            ).wait()

    def start_gathers(s, b):
        @pl.when(valid(s))
        def _():
            for j in range(_NG):
                pltpu.async_copy(
                    nodes_hbm.at[idx_bufs[b].at[pl.ds(j * _G, _G)]],
                    row_bufs[b].at[pl.ds(j * _G, _G)],
                    sem_g[b],
                )

    def wait_gathers(s, b):
        @pl.when(valid(s))
        def _():
            for j in range(_NG):
                pltpu.make_async_copy(
                    nodes_hbm.at[idx_bufs[b].at[pl.ds(j * _G, _G)]],
                    row_bufs[b].at[pl.ds(j * _G, _G)],
                    sem_g[b],
                ).wait()

    def start_out(s, b):
        @pl.when(valid(s))
        def _():
            c = chunk_of(s)
            pltpu.async_copy(
                row_bufs[b],
                out_hbm.at[c // _CPP, pl.ds((c % _CPP) * _C, _C)],
                sem_o[b],
            )

    def wait_out(s, b):
        @pl.when(valid(s))
        def _():
            pltpu.make_async_copy(
                row_bufs[b], out_hbm.at[0, pl.ds(0, _C)], sem_o[b]
            ).wait()

    start_idx(0, 0)

    def body(t, carry):
        for b in range(2):
            s = 2 * t + b
            wait_out(s - 2, b)
            wait_idx(s, b)
            start_gathers(s, b)
            start_idx(s + 1, 1 - b)
            wait_gathers(s, b)
            start_out(s, b)
        return carry

    lax.fori_loop(0, _NSLOTS // 2, body, 0)
    wait_out(_NSLOTS - 2, 0)
    wait_out(_NSLOTS - 1, 1)


@functools.cache
def _tri_gather():
    return functools.partial(
        pl.kernel,
        out_type=jax.ShapeDtypeStruct((_K, _M, _D), jnp.float32),
        mesh=plsc.VectorSubcoreMesh(
            core_axis_name="c", subcore_axis_name="s", num_cores=_NC, num_subcores=_NS
        ),
        scratch_types=[
            pltpu.VMEM((_C,), jnp.int32),
            pltpu.VMEM((_C,), jnp.int32),
            pltpu.VMEM((_C, _D), jnp.float32),
            pltpu.VMEM((_C, _D), jnp.float32),
            pltpu.SemaphoreType.DMA,
            pltpu.SemaphoreType.DMA,
            pltpu.SemaphoreType.DMA,
            pltpu.SemaphoreType.DMA,
            pltpu.SemaphoreType.DMA,
            pltpu.SemaphoreType.DMA,
        ],
    )(_tri_gather_body)


@jax.jit
def kernel(triangles_indexes, nodes):
    idx_cols = jnp.swapaxes(triangles_indexes.astype(jnp.int32), 0, 1)
    out = _tri_gather()(idx_cols.reshape(-1), nodes)
    return jnp.swapaxes(out, 0, 1)

# --- scband reference (transcript-rebuilt; emitter-appended) ---
"""Pipeline reference for scband-triangle-nodes-35364760715801 (READ-ONLY COPY).

The authoritative reference and input builder live on the scoring server;
editing this copy changes nothing except your own understanding.
"""

import jax, jax.numpy as jnp
import numpy as np


def setup_inputs(seed: int = 0) -> dict:
    key = jax.random.key(seed)
    k1, k2 = jax.random.split(key)
    triangles_indexes = jax.random.randint(k1, (200000, 3), 0, 100000, dtype=jnp.int64 if jax.config.jax_enable_x64 else jnp.int32)
    nodes = jax.random.normal(k2, (100000, 128), dtype=jnp.float32)
    return {"triangles_indexes": triangles_indexes, "nodes": nodes}


def reference(triangles_indexes, nodes):
    # Faithful translation of: return nodes[triangles_indexes]
    # Pure gather: output shape [200000, 3, 128]
    return jnp.take(nodes, triangles_indexes, axis=0)

if __name__ == "__main__":
    import jax
    _d = setup_inputs()
    print(jax.jit(kernel)(*tuple(_d.values())))

</pallas_src>

<mosaic_0001>
#map = affine_map<(d0, d1) -> (0)>
#map1 = affine_map<(d0, d1) -> (0, 0)>
#map2 = affine_map<(d0, d1) -> (0, 0, 0)>
module attributes {stable_mosaic.version = 14 : i64} {
  func.func @_tri_gather_body(%arg0: i32, %arg1: i32, %arg2: memref<600000xi32, #tpu.memory_space<hbm>>, %arg3: memref<100000x128xf32, #tpu.memory_space<hbm>>, %arg4: memref<3x200000x128xf32, #tpu.memory_space<hbm>>, %arg5: memref<400xi32, #tpu.memory_space<vmem>>, %arg6: memref<400xi32, #tpu.memory_space<vmem>>, %arg7: memref<400x128xf32, #tpu.memory_space<vmem>>, %arg8: memref<400x128xf32, #tpu.memory_space<vmem>>, %arg9: memref<!tpu.dma_semaphore, #tpu.memory_space<semaphore_mem>>, %arg10: memref<!tpu.dma_semaphore, #tpu.memory_space<semaphore_mem>>, %arg11: memref<!tpu.dma_semaphore, #tpu.memory_space<semaphore_mem>>, %arg12: memref<!tpu.dma_semaphore, #tpu.memory_space<semaphore_mem>>, %arg13: memref<!tpu.dma_semaphore, #tpu.memory_space<semaphore_mem>>, %arg14: memref<!tpu.dma_semaphore, #tpu.memory_space<semaphore_mem>>) attributes {dimension_semantics = [#tpu.dimension_semantics<core_parallel>, #tpu.dimension_semantics<subcore_parallel>], iteration_bounds = array<i64: 2, 16>, scalar_prefetch = 0 : i64, scratch_operands = 10 : i64, tpu.core_type = #tpu.core_type<sc_vector_subcore>, window_params = [{transform_indices = #map}, {transform_indices = #map1}, {transform_indices = #map2}]} {
    %mul3A = arith.constant 2 : i32
    %mul3A_0 = arith.muli %arg1, %mul3A : i32
    %add3A = arith.addi %mul3A_0, %arg0 : i32
    %add3A_1 = arith.constant 0 : i32
    %add3A_2 = arith.addi %add3A, %add3A_1 : i32
    %lt3A = arith.constant 1500 : i32
    %lt3A_3 = arith.cmpi slt, %add3A_2, %lt3A : i32
    %and3A = arith.constant true
    %and3A_4 = arith.andi %and3A, %lt3A_3 : i1
    %convert_element_type3A = arith.extui %and3A_4 : i1 to i32
    %cond3A = arith.constant 0 : i32
    %cond3A_5 = arith.cmpi ne, %convert_element_type3A, %cond3A : i32
    scf.if %cond3A_5 {
      %add3A_29 = arith.constant 0 : i32
      %add3A_30 = arith.addi %add3A, %add3A_29 : i32
      %mul3A_31 = arith.constant 400 : i32
      %mul3A_32 = arith.muli %add3A_30, %mul3A_31 : i32
      %dma_start3A = tpu.memref_slice %arg2[%mul3A_32] : memref<600000xi32, #tpu.memory_space<hbm>> -> memref<400xi32, #tpu.memory_space<hbm>>
      %dma_start3A_33 = tpu.memref_slice %arg2[%mul3A_32] : memref<600000xi32, #tpu.memory_space<hbm>> -> memref<400xi32, #tpu.memory_space<hbm>>
      tpu.enqueue_dma source(%dma_start3A_33 : memref<400xi32, #tpu.memory_space<hbm>>) target(%arg5 : memref<400xi32, #tpu.memory_space<vmem>>) target_semaphore(%arg9 : memref<!tpu.dma_semaphore, #tpu.memory_space<semaphore_mem>>)
    } else {
    }
    %scan3A = arith.constant 0 : i32
    %scan3A_6 = arith.constant 0 : i32
    %scan3A_7 = arith.constant 24 : i32
    %scan3A_8 = arith.addi %scan3A_6, %scan3A_7 : i32
    %scan3A_9 = arith.constant 1 : i32
    scf.for %scan3A_29 = %scan3A_6 to %scan3A_8 step %scan3A_9  : i32 {
      %mul3A_30 = arith.constant 2 : i32
      %mul3A_31 = arith.muli %mul3A_30, %scan3A_29 : i32
      %add3A_32 = arith.constant 0 : i32
      %add3A_33 = arith.addi %mul3A_31, %add3A_32 : i32
      %sub3A = arith.constant 2 : i32
      %sub3A_34 = arith.subi %add3A_33, %sub3A : i32
      %ge3A = arith.constant 0 : i32
      %ge3A_35 = arith.cmpi sge, %sub3A_34, %ge3A : i32
      %mul3A_36 = arith.constant 32 : i32
      %mul3A_37 = arith.muli %sub3A_34, %mul3A_36 : i32
      %add3A_38 = arith.addi %add3A, %mul3A_37 : i32
      %lt3A_39 = arith.constant 1500 : i32
      %lt3A_40 = arith.cmpi slt, %add3A_38, %lt3A_39 : i32
      %and3A_41 = arith.andi %ge3A_35, %lt3A_40 : i1
      %convert_element_type3A_42 = arith.extui %and3A_41 : i1 to i32
      %cond3A_43 = arith.constant 0 : i32
      %cond3A_44 = arith.cmpi ne, %convert_element_type3A_42, %cond3A_43 : i32
      scf.if %cond3A_44 {
        %dma_wait3A = arith.constant 0 : i32
        %dma_wait3A_176 = arith.constant 0 : i32
        %dma_wait3A_177 = arith.constant 0 : i32
        %dma_wait3A_178 = tpu.memref_slice %arg4[%dma_wait3A, %dma_wait3A_176, %dma_wait3A_177] : memref<3x200000x128xf32, #tpu.memory_space<hbm>> -> memref<1x400x128xf32, #tpu.memory_space<hbm>>
        %dma_wait3A_179 = tpu.memref_squeeze %dma_wait3A_178 : memref<1x400x128xf32, #tpu.memory_space<hbm>> -> memref<400x128xf32, #tpu.memory_space<hbm>>
        %dma_wait3A_180 = arith.constant 0 : i32
        %dma_wait3A_181 = arith.constant 0 : i32
        %dma_wait3A_182 = tpu.memref_slice %arg4[%dma_wait3A, %dma_wait3A_180, %dma_wait3A_181] : memref<3x200000x128xf32, #tpu.memory_space<hbm>> -> memref<1x400x128xf32, #tpu.memory_space<hbm>>
        %dma_wait3A_183 = tpu.memref_squeeze %dma_wait3A_182 : memref<1x400x128xf32, #tpu.memory_space<hbm>> -> memref<400x128xf32, #tpu.memory_space<hbm>>
        tpu.wait_dma2 semaphore(%arg13 : memref<!tpu.dma_semaphore, #tpu.memory_space<semaphore_mem>>) src(%arg7 : memref<400x128xf32, #tpu.memory_space<vmem>>) dst(%dma_wait3A_183 : memref<400x128xf32, #tpu.memory_space<hbm>>)
      } else {
      }
      %ge3A_45 = arith.constant 0 : i32
      %ge3A_46 = arith.cmpi sge, %add3A_33, %ge3A_45 : i32
      %mul3A_47 = arith.constant 32 : i32
      %mul3A_48 = arith.muli %add3A_33, %mul3A_47 : i32
      %add3A_49 = arith.addi %add3A, %mul3A_48 : i32
      %lt3A_50 = arith.constant 1500 : i32
      %lt3A_51 = arith.cmpi slt, %add3A_49, %lt3A_50 : i32
      %and3A_52 = arith.andi %ge3A_46, %lt3A_51 : i1
      %convert_element_type3A_53 = arith.extui %and3A_52 : i1 to i32
      %cond3A_54 = arith.constant 0 : i32
      %cond3A_55 = arith.cmpi ne, %convert_element_type3A_53, %cond3A_54 : i32
      scf.if %cond3A_55 {
        %dma_wait3A = arith.constant 0 : i32
        %dma_wait3A_176 = tpu.memref_slice %arg2[%dma_wait3A] : memref<600000xi32, #tpu.memory_space<hbm>> -> memref<400xi32, #tpu.memory_space<hbm>>
        %dma_wait3A_177 = arith.constant 0 : i32
        %dma_wait3A_178 = tpu.memref_slice %arg2[%dma_wait3A_177] : memref<600000xi32, #tpu.memory_space<hbm>> -> memref<400xi32, #tpu.memory_space<hbm>>
        tpu.wait_dma2 semaphore(%arg9 : memref<!tpu.dma_semaphore, #tpu.memory_space<semaphore_mem>>) src(%dma_wait3A_178 : memref<400xi32, #tpu.memory_space<hbm>>) dst(%arg5 : memref<400xi32, #tpu.memory_space<vmem>>)
      } else {
      }
      %ge3A_56 = arith.constant 0 : i32
      %ge3A_57 = arith.cmpi sge, %add3A_33, %ge3A_56 : i32
      %mul3A_58 = arith.constant 32 : i32
      %mul3A_59 = arith.muli %add3A_33, %mul3A_58 : i32
      %add3A_60 = arith.addi %add3A, %mul3A_59 : i32
      %lt3A_61 = arith.constant 1500 : i32
      %lt3A_62 = arith.cmpi slt, %add3A_60, %lt3A_61 : i32
      %and3A_63 = arith.andi %ge3A_57, %lt3A_62 : i1
      %convert_element_type3A_64 = arith.extui %and3A_63 : i1 to i32
      %cond3A_65 = arith.constant 0 : i32
      %cond3A_66 = arith.cmpi ne, %convert_element_type3A_64, %cond3A_65 : i32
      scf.if %cond3A_66 {
        %dma_start3A = arith.constant 0 : i32
        %dma_start3A_176 = arith.constant 0 : i32
        %dma_start3A_177 = tpu.memref_slice %arg7[%dma_start3A, %dma_start3A_176] : memref<400x128xf32, #tpu.memory_space<vmem>> -> memref<80x128xf32, #tpu.memory_space<vmem>>
        %dma_start3A_178 = arith.constant 0 : i32
        %dma_start3A_179 = tpu.memref_slice %arg5[%dma_start3A_178] : memref<400xi32, #tpu.memory_space<vmem>> -> memref<80xi32, #tpu.memory_space<vmem>>
        %dma_start3A_180 = arith.constant 0 : i32
        %dma_start3A_181 = arith.constant 0 : i32
        %dma_start3A_182 = tpu.memref_slice %arg3[%dma_start3A_180, %dma_start3A_181] : memref<100000x128xf32, #tpu.memory_space<hbm>> -> memref<100000x128xf32, #tpu.memory_space<hbm>>
        tpu.enqueue_indirect_dma source(%dma_start3A_182 : memref<100000x128xf32, #tpu.memory_space<hbm>>) target(%dma_start3A_177 : memref<80x128xf32, #tpu.memory_space<vmem>>) offsets(%dma_start3A_179 : memref<80xi32, #tpu.memory_space<vmem>>) semaphore(%arg11 : memref<!tpu.dma_semaphore, #tpu.memory_space<semaphore_mem>>)
        %dma_start3A_183 = arith.constant 80 : i32
        %dma_start3A_184 = arith.constant 0 : i32
        %dma_start3A_185 = tpu.memref_slice %arg7[%dma_start3A_183, %dma_start3A_184] : memref<400x128xf32, #tpu.memory_space<vmem>> -> memref<80x128xf32, #tpu.memory_space<vmem>>
        %dma_start3A_186 = arith.constant 80 : i32
        %dma_start3A_187 = tpu.memref_slice %arg5[%dma_start3A_186] : memref<400xi32, #tpu.memory_space<vmem>> -> memref<80xi32, #tpu.memory_space<vmem>>
        %dma_start3A_188 = arith.constant 0 : i32
        %dma_start3A_189 = arith.constant 0 : i32
        %dma_start3A_190 = tpu.memref_slice %arg3[%dma_start3A_188, %dma_start3A_189] : memref<100000x128xf32, #tpu.memory_space<hbm>> -> memref<100000x128xf32, #tpu.memory_space<hbm>>
        tpu.enqueue_indirect_dma source(%dma_start3A_190 : memref<100000x128xf32, #tpu.memory_space<hbm>>) target(%dma_start3A_185 : memref<80x128xf32, #tpu.memory_space<vmem>>) offsets(%dma_start3A_187 : memref<80xi32, #tpu.memory_space<vmem>>) semaphore(%arg11 : memref<!tpu.dma_semaphore, #tpu.memory_space<semaphore_mem>>)
        %dma_start3A_191 = arith.constant 160 : i32
        %dma_start3A_192 = arith.constant 0 : i32
        %dma_start3A_193 = tpu.memref_slice %arg7[%dma_start3A_191, %dma_start3A_192] : memref<400x128xf32, #tpu.memory_space<vmem>> -> memref<80x128xf32, #tpu.memory_space<vmem>>
        %dma_start3A_194 = arith.constant 160 : i32
        %dma_start3A_195 = tpu.memref_slice %arg5[%dma_start3A_194] : memref<400xi32, #tpu.memory_space<vmem>> -> memref<80xi32, #tpu.memory_space<vmem>>
        %dma_start3A_196 = arith.constant 0 : i32
        %dma_start3A_197 = arith.constant 0 : i32
        %dma_start3A_198 = tpu.memref_slice %arg3[%dma_start3A_196, %dma_start3A_197] : memref<100000x128xf32, #tpu.memory_space<hbm>> -> memref<100000x128xf32, #tpu.memory_space<hbm>>
        tpu.enqueue_indirect_dma source(%dma_start3A_198 : memref<100000x128xf32, #tpu.memory_space<hbm>>) target(%dma_start3A_193 : memref<80x128xf32, #tpu.memory_space<vmem>>) offsets(%dma_start3A_195 : memref<80xi32, #tpu.memory_space<vmem>>) semaphore(%arg11 : memref<!tpu.dma_semaphore, #tpu.memory_space<semaphore_mem>>)
        %dma_start3A_199 = arith.constant 240 : i32
        %dma_start3A_200 = arith.constant 0 : i32
        %dma_start3A_201 = tpu.memref_slice %arg7[%dma_start3A_199, %dma_start3A_200] : memref<400x128xf32, #tpu.memory_space<vmem>> -> memref<80x128xf32, #tpu.memory_space<vmem>>
        %dma_start3A_202 = arith.constant 240 : i32
        %dma_start3A_203 = tpu.memref_slice %arg5[%dma_start3A_202] : memref<400xi32, #tpu.memory_space<vmem>> -> memref<80xi32, #tpu.memory_space<vmem>>
        %dma_start3A_204 = arith.constant 0 : i32
        %dma_start3A_205 = arith.constant 0 : i32
        %dma_start3A_206 = tpu.memref_slice %arg3[%dma_start3A_204, %dma_start3A_205] : memref<100000x128xf32, #tpu.memory_space<hbm>> -> memref<100000x128xf32, #tpu.memory_space<hbm>>
        tpu.enqueue_indirect_dma source(%dma_start3A_206 : memref<100000x128xf32, #tpu.memory_space<hbm>>) target(%dma_start3A_201 : memref<80x128xf32, #tpu.memory_space<vmem>>) offsets(%dma_start3A_203 : memref<80xi32, #tpu.memory_space<vmem>>) semaphore(%arg11 : memref<!tpu.dma_semaphore, #tpu.memory_space<semaphore_mem>>)
        %dma_start3A_207 = arith.constant 320 : i32
        %dma_start3A_208 = arith.constant 0 : i32
        %dma_start3A_209 = tpu.memref_slice %arg7[%dma_start3A_207, %dma_start3A_208] : memref<400x128xf32, #tpu.memory_space<vmem>> -> memref<80x128xf32, #tpu.memory_space<vmem>>
        %dma_start3A_210 = arith.constant 320 : i32
        %dma_start3A_211 = tpu.memref_slice %arg5[%dma_start3A_210] : memref<400xi32, #tpu.memory_space<vmem>> -> memref<80xi32, #tpu.memory_space<vmem>>
        %dma_start3A_212 = arith.constant 0 : i32
        %dma_start3A_213 = arith.constant 0 : i32
        %dma_start3A_214 = tpu.memref_slice %arg3[%dma_start3A_212, %dma_start3A_213] : memref<100000x128xf32, #tpu.memory_space<hbm>> -> memref<100000x128xf32, #tpu.memory_space<hbm>>
        tpu.enqueue_indirect_dma source(%dma_start3A_214 : memref<100000x128xf32, #tpu.memory_space<hbm>>) target(%dma_start3A_209 : memref<80x128xf32, #tpu.memory_space<vmem>>) offsets(%dma_start3A_211 : memref<80xi32, #tpu.memory_space<vmem>>) semaphore(%arg11 : memref<!tpu.dma_semaphore, #tpu.memory_space<semaphore_mem>>)
      } else {
      }
      %add3A_67 = arith.constant 1 : i32
      %add3A_68 = arith.addi %add3A_33, %add3A_67 : i32
      %ge3A_69 = arith.constant 0 : i32
      %ge3A_70 = arith.cmpi sge, %add3A_68, %ge3A_69 : i32
      %mul3A_71 = arith.constant 32 : i32
      %mul3A_72 = arith.muli %add3A_68, %mul3A_71 : i32
      %add3A_73 = arith.addi %add3A, %mul3A_72 : i32
      %lt3A_74 = arith.constant 1500 : i32
      %lt3A_75 = arith.cmpi slt, %add3A_73, %lt3A_74 : i32
      %and3A_76 = arith.andi %ge3A_70, %lt3A_75 : i1
      %convert_element_type3A_77 = arith.extui %and3A_76 : i1 to i32
      %cond3A_78 = arith.constant 0 : i32
      %cond3A_79 = arith.cmpi ne, %convert_element_type3A_77, %cond3A_78 : i32
      scf.if %cond3A_79 {
        %mul3A_176 = arith.constant 32 : i32
        %mul3A_177 = arith.muli %add3A_68, %mul3A_176 : i32
        %add3A_178 = arith.addi %add3A, %mul3A_177 : i32
        %mul3A_179 = arith.constant 400 : i32
        %mul3A_180 = arith.muli %add3A_178, %mul3A_179 : i32
        %dma_start3A = tpu.memref_slice %arg2[%mul3A_180] : memref<600000xi32, #tpu.memory_space<hbm>> -> memref<400xi32, #tpu.memory_space<hbm>>
        %dma_start3A_181 = tpu.memref_slice %arg2[%mul3A_180] : memref<600000xi32, #tpu.memory_space<hbm>> -> memref<400xi32, #tpu.memory_space<hbm>>
        tpu.enqueue_dma source(%dma_start3A_181 : memref<400xi32, #tpu.memory_space<hbm>>) target(%arg6 : memref<400xi32, #tpu.memory_space<vmem>>) target_semaphore(%arg10 : memref<!tpu.dma_semaphore, #tpu.memory_space<semaphore_mem>>)
      } else {
      }
      %ge3A_80 = arith.constant 0 : i32
      %ge3A_81 = arith.cmpi sge, %add3A_33, %ge3A_80 : i32
      %mul3A_82 = arith.constant 32 : i32
      %mul3A_83 = arith.muli %add3A_33, %mul3A_82 : i32
      %add3A_84 = arith.addi %add3A, %mul3A_83 : i32
      %lt3A_85 = arith.constant 1500 : i32
      %lt3A_86 = arith.cmpi slt, %add3A_84, %lt3A_85 : i32
      %and3A_87 = arith.andi %ge3A_81, %lt3A_86 : i1
      %convert_element_type3A_88 = arith.extui %and3A_87 : i1 to i32
      %cond3A_89 = arith.constant 0 : i32
      %cond3A_90 = arith.cmpi ne, %convert_element_type3A_88, %cond3A_89 : i32
      scf.if %cond3A_90 {
        %dma_wait3A = arith.constant 0 : i32
        %dma_wait3A_176 = arith.constant 0 : i32
        %dma_wait3A_177 = tpu.memref_slice %arg7[%dma_wait3A, %dma_wait3A_176] : memref<400x128xf32, #tpu.memory_space<vmem>> -> memref<80x128xf32, #tpu.memory_space<vmem>>
        %dma_wait3A_178 = arith.constant 0 : i32
        %dma_wait3A_179 = tpu.memref_slice %arg5[%dma_wait3A_178] : memref<400xi32, #tpu.memory_space<vmem>> -> memref<80xi32, #tpu.memory_space<vmem>>
        %dma_wait3A_180 = arith.constant 0 : i32
        %dma_wait3A_181 = arith.constant 0 : i32
        %dma_wait3A_182 = tpu.memref_slice %arg3[%dma_wait3A_180, %dma_wait3A_181] : memref<100000x128xf32, #tpu.memory_space<hbm>> -> memref<100000x128xf32, #tpu.memory_space<hbm>>
        tpu.wait_indirect_dma semaphore(%arg11 : memref<!tpu.dma_semaphore, #tpu.memory_space<semaphore_mem>>) src(%dma_wait3A_182 : memref<100000x128xf32, #tpu.memory_space<hbm>>) dst(%dma_wait3A_177 : memref<80x128xf32, #tpu.memory_space<vmem>>)
        %dma_wait3A_183 = arith.constant 80 : i32
        %dma_wait3A_184 = arith.constant 0 : i32
        %dma_wait3A_185 = tpu.memref_slice %arg7[%dma_wait3A_183, %dma_wait3A_184] : memref<400x128xf32, #tpu.memory_space<vmem>> -> memref<80x128xf32, #tpu.memory_space<vmem>>
        %dma_wait3A_186 = arith.constant 80 : i32
        %dma_wait3A_187 = tpu.memref_slice %arg5[%dma_wait3A_186] : memref<400xi32, #tpu.memory_space<vmem>> -> memref<80xi32, #tpu.memory_space<vmem>>
        %dma_wait3A_188 = arith.constant 0 : i32
        %dma_wait3A_189 = arith.constant 0 : i32
        %dma_wait3A_190 = tpu.memref_slice %arg3[%dma_wait3A_188, %dma_wait3A_189] : memref<100000x128xf32, #tpu.memory_space<hbm>> -> memref<100000x128xf32, #tpu.memory_space<hbm>>
        tpu.wait_indirect_dma semaphore(%arg11 : memref<!tpu.dma_semaphore, #tpu.memory_space<semaphore_mem>>) src(%dma_wait3A_190 : memref<100000x128xf32, #tpu.memory_space<hbm>>) dst(%dma_wait3A_185 : memref<80x128xf32, #tpu.memory_space<vmem>>)
        %dma_wait3A_191 = arith.constant 160 : i32
        %dma_wait3A_192 = arith.constant 0 : i32
        %dma_wait3A_193 = tpu.memref_slice %arg7[%dma_wait3A_191, %dma_wait3A_192] : memref<400x128xf32, #tpu.memory_space<vmem>> -> memref<80x128xf32, #tpu.memory_space<vmem>>
        %dma_wait3A_194 = arith.constant 160 : i32
        %dma_wait3A_195 = tpu.memref_slice %arg5[%dma_wait3A_194] : memref<400xi32, #tpu.memory_space<vmem>> -> memref<80xi32, #tpu.memory_space<vmem>>
        %dma_wait3A_196 = arith.constant 0 : i32
        %dma_wait3A_197 = arith.constant 0 : i32
        %dma_wait3A_198 = tpu.memref_slice %arg3[%dma_wait3A_196, %dma_wait3A_197] : memref<100000x128xf32, #tpu.memory_space<hbm>> -> memref<100000x128xf32, #tpu.memory_space<hbm>>
        tpu.wait_indirect_dma semaphore(%arg11 : memref<!tpu.dma_semaphore, #tpu.memory_space<semaphore_mem>>) src(%dma_wait3A_198 : memref<100000x128xf32, #tpu.memory_space<hbm>>) dst(%dma_wait3A_193 : memref<80x128xf32, #tpu.memory_space<vmem>>)
        %dma_wait3A_199 = arith.constant 240 : i32
        %dma_wait3A_200 = arith.constant 0 : i32
        %dma_wait3A_201 = tpu.memref_slice %arg7[%dma_wait3A_199, %dma_wait3A_200] : memref<400x128xf32, #tpu.memory_space<vmem>> -> memref<80x128xf32, #tpu.memory_space<vmem>>
        %dma_wait3A_202 = arith.constant 240 : i32
        %dma_wait3A_203 = tpu.memref_slice %arg5[%dma_wait3A_202] : memref<400xi32, #tpu.memory_space<vmem>> -> memref<80xi32, #tpu.memory_space<vmem>>
        %dma_wait3A_204 = arith.constant 0 : i32
        %dma_wait3A_205 = arith.constant 0 : i32
        %dma_wait3A_206 = tpu.memref_slice %arg3[%dma_wait3A_204, %dma_wait3A_205] : memref<100000x128xf32, #tpu.memory_space<hbm>> -> memref<100000x128xf32, #tpu.memory_space<hbm>>
        tpu.wait_indirect_dma semaphore(%arg11 : memref<!tpu.dma_semaphore, #tpu.memory_space<semaphore_mem>>) src(%dma_wait3A_206 : memref<100000x128xf32, #tpu.memory_space<hbm>>) dst(%dma_wait3A_201 : memref<80x128xf32, #tpu.memory_space<vmem>>)
        %dma_wait3A_207 = arith.constant 320 : i32
        %dma_wait3A_208 = arith.constant 0 : i32
        %dma_wait3A_209 = tpu.memref_slice %arg7[%dma_wait3A_207, %dma_wait3A_208] : memref<400x128xf32, #tpu.memory_space<vmem>> -> memref<80x128xf32, #tpu.memory_space<vmem>>
        %dma_wait3A_210 = arith.constant 320 : i32
        %dma_wait3A_211 = tpu.memref_slice %arg5[%dma_wait3A_210] : memref<400xi32, #tpu.memory_space<vmem>> -> memref<80xi32, #tpu.memory_space<vmem>>
        %dma_wait3A_212 = arith.constant 0 : i32
        %dma_wait3A_213 = arith.constant 0 : i32
        %dma_wait3A_214 = tpu.memref_slice %arg3[%dma_wait3A_212, %dma_wait3A_213] : memref<100000x128xf32, #tpu.memory_space<hbm>> -> memref<100000x128xf32, #tpu.memory_space<hbm>>
        tpu.wait_indirect_dma semaphore(%arg11 : memref<!tpu.dma_semaphore, #tpu.memory_space<semaphore_mem>>) src(%dma_wait3A_214 : memref<100000x128xf32, #tpu.memory_space<hbm>>) dst(%dma_wait3A_209 : memref<80x128xf32, #tpu.memory_space<vmem>>)
      } else {
      }
      %ge3A_91 = arith.constant 0 : i32
      %ge3A_92 = arith.cmpi sge, %add3A_33, %ge3A_91 : i32
      %mul3A_93 = arith.constant 32 : i32
      %mul3A_94 = arith.muli %add3A_33, %mul3A_93 : i32
      %add3A_95 = arith.addi %add3A, %mul3A_94 : i32
      %lt3A_96 = arith.constant 1500 : i32
      %lt3A_97 = arith.cmpi slt, %add3A_95, %lt3A_96 : i32
      %and3A_98 = arith.andi %ge3A_92, %lt3A_97 : i1
      %convert_element_type3A_99 = arith.extui %and3A_98 : i1 to i32
      %cond3A_100 = arith.constant 0 : i32
      %cond3A_101 = arith.cmpi ne, %convert_element_type3A_99, %cond3A_100 : i32
      scf.if %cond3A_101 {
        %mul3A_176 = arith.constant 32 : i32
        %mul3A_177 = arith.muli %add3A_33, %mul3A_176 : i32
        %add3A_178 = arith.addi %add3A, %mul3A_177 : i32
        %jit3A = arith.constant 500 : i32
        %div3A = arith.divsi %add3A_178, %jit3A : i32
        %sign3A = arith.constant 0 : i32
        %sign3A_179 = arith.cmpi sgt, %add3A_178, %sign3A : i32
        %sign3A_180 = arith.extui %sign3A_179 : i1 to i32
        %sign3A_181 = arith.constant 0 : i32
        %sign3A_182 = arith.cmpi slt, %add3A_178, %sign3A_181 : i32
        %sign3A_183 = arith.extui %sign3A_182 : i1 to i32
        %sign3A_184 = arith.subi %sign3A_180, %sign3A_183 : i32
        %sign3A_185 = arith.constant 0 : i32
        %sign3A_186 = arith.cmpi sgt, %jit3A, %sign3A_185 : i32
        %sign3A_187 = arith.extui %sign3A_186 : i1 to i32
        %sign3A_188 = arith.constant 0 : i32
        %sign3A_189 = arith.cmpi slt, %jit3A, %sign3A_188 : i32
        %sign3A_190 = arith.extui %sign3A_189 : i1 to i32
        %sign3A_191 = arith.subi %sign3A_187, %sign3A_190 : i32
        %ne3A = arith.cmpi ne, %sign3A_184, %sign3A_191 : i32
        %rem3A = arith.remsi %add3A_178, %jit3A : i32
        %ne3A_192 = arith.constant 0 : i32
        %ne3A_193 = arith.cmpi ne, %rem3A, %ne3A_192 : i32
        %and3A_194 = arith.andi %ne3A, %ne3A_193 : i1
        %sub3A_195 = arith.constant 1 : i32
        %sub3A_196 = arith.subi %div3A, %sub3A_195 : i32
        %select_n3A = arith.select %and3A_194, %sub3A_196, %div3A : i32
        %jit3A_197 = arith.constant 500 : i32
        %eq3A = arith.constant 0 : i32
        %eq3A_198 = arith.cmpi eq, %jit3A_197, %eq3A : i32
        %jit3A_199 = arith.constant 1 : i32
        %select_n3A_200 = arith.select %eq3A_198, %jit3A_199, %jit3A_197 : i32
        %rem3A_201 = arith.remsi %add3A_178, %select_n3A_200 : i32
        %ne3A_202 = arith.constant 0 : i32
        %ne3A_203 = arith.cmpi ne, %rem3A_201, %ne3A_202 : i32
        %lt3A_204 = arith.constant 0 : i32
        %lt3A_205 = arith.cmpi slt, %rem3A_201, %lt3A_204 : i32
        %lt3A_206 = arith.constant 0 : i32
        %lt3A_207 = arith.cmpi slt, %select_n3A_200, %lt3A_206 : i32
        %ne3A_208 = arith.xori %lt3A_205, %lt3A_207 : i1
        %and3A_209 = arith.andi %ne3A_208, %ne3A_203 : i1
        %add3A_210 = arith.addi %rem3A_201, %select_n3A_200 : i32
        %select_n3A_211 = arith.select %and3A_209, %add3A_210, %rem3A_201 : i32
        %mul3A_212 = arith.constant 400 : i32
        %mul3A_213 = arith.muli %select_n3A_211, %mul3A_212 : i32
        %dma_start3A = arith.constant 0 : i32
        %dma_start3A_214 = tpu.memref_slice %arg4[%select_n3A, %mul3A_213, %dma_start3A] : memref<3x200000x128xf32, #tpu.memory_space<hbm>> -> memref<1x400x128xf32, #tpu.memory_space<hbm>>
        %dma_start3A_215 = tpu.memref_squeeze %dma_start3A_214 : memref<1x400x128xf32, #tpu.memory_space<hbm>> -> memref<400x128xf32, #tpu.memory_space<hbm>>
        %dma_start3A_216 = arith.constant 0 : i32
        %dma_start3A_217 = tpu.memref_slice %arg4[%select_n3A, %mul3A_213, %dma_start3A_216] : memref<3x200000x128xf32, #tpu.memory_space<hbm>> -> memref<1x400x128xf32, #tpu.memory_space<hbm>>
        %dma_start3A_218 = tpu.memref_squeeze %dma_start3A_217 : memref<1x400x128xf32, #tpu.memory_space<hbm>> -> memref<400x128xf32, #tpu.memory_space<hbm>>
        tpu.enqueue_dma source(%arg7 : memref<400x128xf32, #tpu.memory_space<vmem>>) target(%dma_start3A_218 : memref<400x128xf32, #tpu.memory_space<hbm>>) target_semaphore(%arg13 : memref<!tpu.dma_semaphore, #tpu.memory_space<semaphore_mem>>)
      } else {
      }
      %mul3A_102 = arith.constant 2 : i32
      %mul3A_103 = arith.muli %mul3A_102, %scan3A_29 : i32
      %add3A_104 = arith.constant 1 : i32
      %add3A_105 = arith.addi %mul3A_103, %add3A_104 : i32
      %sub3A_106 = arith.constant 2 : i32
      %sub3A_107 = arith.subi %add3A_105, %sub3A_106 : i32
      %ge3A_108 = arith.constant 0 : i32
      %ge3A_109 = arith.cmpi sge, %sub3A_107, %ge3A_108 : i32
      %mul3A_110 = arith.constant 32 : i32
      %mul3A_111 = arith.muli %sub3A_107, %mul3A_110 : i32
      %add3A_112 = arith.addi %add3A, %mul3A_111 : i32
      %lt3A_113 = arith.constant 1500 : i32
      %lt3A_114 = arith.cmpi slt, %add3A_112, %lt3A_113 : i32
      %and3A_115 = arith.andi %ge3A_109, %lt3A_114 : i1
      %convert_element_type3A_116 = arith.extui %and3A_115 : i1 to i32
      %cond3A_117 = arith.constant 0 : i32
      %cond3A_118 = arith.cmpi ne, %convert_element_type3A_116, %cond3A_117 : i32
      scf.if %cond3A_118 {
        %dma_wait3A = arith.constant 0 : i32
        %dma_wait3A_176 = arith.constant 0 : i32
        %dma_wait3A_177 = arith.constant 0 : i32
        %dma_wait3A_178 = tpu.memref_slice %arg4[%dma_wait3A, %dma_wait3A_176, %dma_wait3A_177] : memref<3x200000x128xf32, #tpu.memory_space<hbm>> -> memref<1x400x128xf32, #tpu.memory_space<hbm>>
        %dma_wait3A_179 = tpu.memref_squeeze %dma_wait3A_178 : memref<1x400x128xf32, #tpu.memory_space<hbm>> -> memref<400x128xf32, #tpu.memory_space<hbm>>
        %dma_wait3A_180 = arith.constant 0 : i32
        %dma_wait3A_181 = arith.constant 0 : i32
        %dma_wait3A_182 = tpu.memref_slice %arg4[%dma_wait3A, %dma_wait3A_180, %dma_wait3A_181] : memref<3x200000x128xf32, #tpu.memory_space<hbm>> -> memref<1x400x128xf32, #tpu.memory_space<hbm>>
        %dma_wait3A_183 = tpu.memref_squeeze %dma_wait3A_182 : memref<1x400x128xf32, #tpu.memory_space<hbm>> -> memref<400x128xf32, #tpu.memory_space<hbm>>
        tpu.wait_dma2 semaphore(%arg14 : memref<!tpu.dma_semaphore, #tpu.memory_space<semaphore_mem>>) src(%arg8 : memref<400x128xf32, #tpu.memory_space<vmem>>) dst(%dma_wait3A_183 : memref<400x128xf32, #tpu.memory_space<hbm>>)
      } else {
      }
      %ge3A_119 = arith.constant 0 : i32
      %ge3A_120 = arith.cmpi sge, %add3A_105, %ge3A_119 : i32
      %mul3A_121 = arith.constant 32 : i32
      %mul3A_122 = arith.muli %add3A_105, %mul3A_121 : i32
      %add3A_123 = arith.addi %add3A, %mul3A_122 : i32
      %lt3A_124 = arith.constant 1500 : i32
      %lt3A_125 = arith.cmpi slt, %add3A_123, %lt3A_124 : i32
      %and3A_126 = arith.andi %ge3A_120, %lt3A_125 : i1
      %convert_element_type3A_127 = arith.extui %and3A_126 : i1 to i32
      %cond3A_128 = arith.constant 0 : i32
      %cond3A_129 = arith.cmpi ne, %convert_element_type3A_127, %cond3A_128 : i32
      scf.if %cond3A_129 {
        %dma_wait3A = arith.constant 0 : i32
        %dma_wait3A_176 = tpu.memref_slice %arg2[%dma_wait3A] : memref<600000xi32, #tpu.memory_space<hbm>> -> memref<400xi32, #tpu.memory_space<hbm>>
        %dma_wait3A_177 = arith.constant 0 : i32
        %dma_wait3A_178 = tpu.memref_slice %arg2[%dma_wait3A_177] : memref<600000xi32, #tpu.memory_space<hbm>> -> memref<400xi32, #tpu.memory_space<hbm>>
        tpu.wait_dma2 semaphore(%arg10 : memref<!tpu.dma_semaphore, #tpu.memory_space<semaphore_mem>>) src(%dma_wait3A_178 : memref<400xi32, #tpu.memory_space<hbm>>) dst(%arg6 : memref<400xi32, #tpu.memory_space<vmem>>)
      } else {
      }
      %ge3A_130 = arith.constant 0 : i32
      %ge3A_131 = arith.cmpi sge, %add3A_105, %ge3A_130 : i32
      %mul3A_132 = arith.constant 32 : i32
      %mul3A_133 = arith.muli %add3A_105, %mul3A_132 : i32
      %add3A_134 = arith.addi %add3A, %mul3A_133 : i32
      %lt3A_135 = arith.constant 1500 : i32
      %lt3A_136 = arith.cmpi slt, %add3A_134, %lt3A_135 : i32
      %and3A_137 = arith.andi %ge3A_131, %lt3A_136 : i1
      %convert_element_type3A_138 = arith.extui %and3A_137 : i1 to i32
      %cond3A_139 = arith.constant 0 : i32
      %cond3A_140 = arith.cmpi ne, %convert_element_type3A_138, %cond3A_139 : i32
      scf.if %cond3A_140 {
        %dma_start3A = arith.constant 0 : i32
        %dma_start3A_176 = arith.constant 0 : i32
        %dma_start3A_177 = tpu.memref_slice %arg8[%dma_start3A, %dma_start3A_176] : memref<400x128xf32, #tpu.memory_space<vmem>> -> memref<80x128xf32, #tpu.memory_space<vmem>>
        %dma_start3A_178 = arith.constant 0 : i32
        %dma_start3A_179 = tpu.memref_slice %arg6[%dma_start3A_178] : memref<400xi32, #tpu.memory_space<vmem>> -> memref<80xi32, #tpu.memory_space<vmem>>
        %dma_start3A_180 = arith.constant 0 : i32
        %dma_start3A_181 = arith.constant 0 : i32
        %dma_start3A_182 = tpu.memref_slice %arg3[%dma_start3A_180, %dma_start3A_181] : memref<100000x128xf32, #tpu.memory_space<hbm>> -> memref<100000x128xf32, #tpu.memory_space<hbm>>
        tpu.enqueue_indirect_dma source(%dma_start3A_182 : memref<100000x128xf32, #tpu.memory_space<hbm>>) target(%dma_start3A_177 : memref<80x128xf32, #tpu.memory_space<vmem>>) offsets(%dma_start3A_179 : memref<80xi32, #tpu.memory_space<vmem>>) semaphore(%arg12 : memref<!tpu.dma_semaphore, #tpu.memory_space<semaphore_mem>>)
        %dma_start3A_183 = arith.constant 80 : i32
        %dma_start3A_184 = arith.constant 0 : i32
        %dma_start3A_185 = tpu.memref_slice %arg8[%dma_start3A_183, %dma_start3A_184] : memref<400x128xf32, #tpu.memory_space<vmem>> -> memref<80x128xf32, #tpu.memory_space<vmem>>
        %dma_start3A_186 = arith.constant 80 : i32
        %dma_start3A_187 = tpu.memref_slice %arg6[%dma_start3A_186] : memref<400xi32, #tpu.memory_space<vmem>> -> memref<80xi32, #tpu.memory_space<vmem>>
        %dma_start3A_188 = arith.constant 0 : i32
        %dma_start3A_189 = arith.constant 0 : i32
        %dma_start3A_190 = tpu.memref_slice %arg3[%dma_start3A_188, %dma_start3A_189] : memref<100000x128xf32, #tpu.memory_space<hbm>> -> memref<100000x128xf32, #tpu.memory_space<hbm>>
        tpu.enqueue_indirect_dma source(%dma_start3A_190 : memref<100000x128xf32, #tpu.memory_space<hbm>>) target(%dma_start3A_185 : memref<80x128xf32, #tpu.memory_space<vmem>>) offsets(%dma_start3A_187 : memref<80xi32, #tpu.memory_space<vmem>>) semaphore(%arg12 : memref<!tpu.dma_semaphore, #tpu.memory_space<semaphore_mem>>)
        %dma_start3A_191 = arith.constant 160 : i32
        %dma_start3A_192 = arith.constant 0 : i32
        %dma_start3A_193 = tpu.memref_slice %arg8[%dma_start3A_191, %dma_start3A_192] : memref<400x128xf32, #tpu.memory_space<vmem>> -> memref<80x128xf32, #tpu.memory_space<vmem>>
        %dma_start3A_194 = arith.constant 160 : i32
        %dma_start3A_195 = tpu.memref_slice %arg6[%dma_start3A_194] : memref<400xi32, #tpu.memory_space<vmem>> -> memref<80xi32, #tpu.memory_space<vmem>>
        %dma_start3A_196 = arith.constant 0 : i32
        %dma_start3A_197 = arith.constant 0 : i32
        %dma_start3A_198 = tpu.memref_slice %arg3[%dma_start3A_196, %dma_start3A_197] : memref<100000x128xf32, #tpu.memory_space<hbm>> -> memref<100000x128xf32, #tpu.memory_space<hbm>>
        tpu.enqueue_indirect_dma source(%dma_start3A_198 : memref<100000x128xf32, #tpu.memory_space<hbm>>) target(%dma_start3A_193 : memref<80x128xf32, #tpu.memory_space<vmem>>) offsets(%dma_start3A_195 : memref<80xi32, #tpu.memory_space<vmem>>) semaphore(%arg12 : memref<!tpu.dma_semaphore, #tpu.memory_space<semaphore_mem>>)
        %dma_start3A_199 = arith.constant 240 : i32
        %dma_start3A_200 = arith.constant 0 : i32
        %dma_start3A_201 = tpu.memref_slice %arg8[%dma_start3A_199, %dma_start3A_200] : memref<400x128xf32, #tpu.memory_space<vmem>> -> memref<80x128xf32, #tpu.memory_space<vmem>>
        %dma_start3A_202 = arith.constant 240 : i32
        %dma_start3A_203 = tpu.memref_slice %arg6[%dma_start3A_202] : memref<400xi32, #tpu.memory_space<vmem>> -> memref<80xi32, #tpu.memory_space<vmem>>
        %dma_start3A_204 = arith.constant 0 : i32
        %dma_start3A_205 = arith.constant 0 : i32
        %dma_start3A_206 = tpu.memref_slice %arg3[%dma_start3A_204, %dma_start3A_205] : memref<100000x128xf32, #tpu.memory_space<hbm>> -> memref<100000x128xf32, #tpu.memory_space<hbm>>
        tpu.enqueue_indirect_dma source(%dma_start3A_206 : memref<100000x128xf32, #tpu.memory_space<hbm>>) target(%dma_start3A_201 : memref<80x128xf32, #tpu.memory_space<vmem>>) offsets(%dma_start3A_203 : memref<80xi32, #tpu.memory_space<vmem>>) semaphore(%arg12 : memref<!tpu.dma_semaphore, #tpu.memory_space<semaphore_mem>>)
        %dma_start3A_207 = arith.constant 320 : i32
        %dma_start3A_208 = arith.constant 0 : i32
        %dma_start3A_209 = tpu.memref_slice %arg8[%dma_start3A_207, %dma_start3A_208] : memref<400x128xf32, #tpu.memory_space<vmem>> -> memref<80x128xf32, #tpu.memory_space<vmem>>
        %dma_start3A_210 = arith.constant 320 : i32
        %dma_start3A_211 = tpu.memref_slice %arg6[%dma_start3A_210] : memref<400xi32, #tpu.memory_space<vmem>> -> memref<80xi32, #tpu.memory_space<vmem>>
        %dma_start3A_212 = arith.constant 0 : i32
        %dma_start3A_213 = arith.constant 0 : i32
        %dma_start3A_214 = tpu.memref_slice %arg3[%dma_start3A_212, %dma_start3A_213] : memref<100000x128xf32, #tpu.memory_space<hbm>> -> memref<100000x128xf32, #tpu.memory_space<hbm>>
        tpu.enqueue_indirect_dma source(%dma_start3A_214 : memref<100000x128xf32, #tpu.memory_space<hbm>>) target(%dma_start3A_209 : memref<80x128xf32, #tpu.memory_space<vmem>>) offsets(%dma_start3A_211 : memref<80xi32, #tpu.memory_space<vmem>>) semaphore(%arg12 : memref<!tpu.dma_semaphore, #tpu.memory_space<semaphore_mem>>)
      } else {
      }
      %add3A_141 = arith.constant 1 : i32
      %add3A_142 = arith.addi %add3A_105, %add3A_141 : i32
      %ge3A_143 = arith.constant 0 : i32
      %ge3A_144 = arith.cmpi sge, %add3A_142, %ge3A_143 : i32
      %mul3A_145 = arith.constant 32 : i32
      %mul3A_146 = arith.muli %add3A_142, %mul3A_145 : i32
      %add3A_147 = arith.addi %add3A, %mul3A_146 : i32
      %lt3A_148 = arith.constant 1500 : i32
      %lt3A_149 = arith.cmpi slt, %add3A_147, %lt3A_148 : i32
      %and3A_150 = arith.andi %ge3A_144, %lt3A_149 : i1
      %convert_element_type3A_151 = arith.extui %and3A_150 : i1 to i32
      %cond3A_152 = arith.constant 0 : i32
      %cond3A_153 = arith.cmpi ne, %convert_element_type3A_151, %cond3A_152 : i32
      scf.if %cond3A_153 {
        %mul3A_176 = arith.constant 32 : i32
        %mul3A_177 = arith.muli %add3A_142, %mul3A_176 : i32
        %add3A_178 = arith.addi %add3A, %mul3A_177 : i32
        %mul3A_179 = arith.constant 400 : i32
        %mul3A_180 = arith.muli %add3A_178, %mul3A_179 : i32
        %dma_start3A = tpu.memref_slice %arg2[%mul3A_180] : memref<600000xi32, #tpu.memory_space<hbm>> -> memref<400xi32, #tpu.memory_space<hbm>>
        %dma_start3A_181 = tpu.memref_slice %arg2[%mul3A_180] : memref<600000xi32, #tpu.memory_space<hbm>> -> memref<400xi32, #tpu.memory_space<hbm>>
        tpu.enqueue_dma source(%dma_start3A_181 : memref<400xi32, #tpu.memory_space<hbm>>) target(%arg5 : memref<400xi32, #tpu.memory_space<vmem>>) target_semaphore(%arg9 : memref<!tpu.dma_semaphore, #tpu.memory_space<semaphore_mem>>)
      } else {
      }
      %ge3A_154 = arith.constant 0 : i32
      %ge3A_155 = arith.cmpi sge, %add3A_105, %ge3A_154 : i32
      %mul3A_156 = arith.constant 32 : i32
      %mul3A_157 = arith.muli %add3A_105, %mul3A_156 : i32
      %add3A_158 = arith.addi %add3A, %mul3A_157 : i32
      %lt3A_159 = arith.constant 1500 : i32
      %lt3A_160 = arith.cmpi slt, %add3A_158, %lt3A_159 : i32
      %and3A_161 = arith.andi %ge3A_155, %lt3A_160 : i1
      %convert_element_type3A_162 = arith.extui %and3A_161 : i1 to i32
      %cond3A_163 = arith.constant 0 : i32
      %cond3A_164 = arith.cmpi ne, %convert_element_type3A_162, %cond3A_163 : i32
      scf.if %cond3A_164 {
        %dma_wait3A = arith.constant 0 : i32
        %dma_wait3A_176 = arith.constant 0 : i32
        %dma_wait3A_177 = tpu.memref_slice %arg8[%dma_wait3A, %dma_wait3A_176] : memref<400x128xf32, #tpu.memory_space<vmem>> -> memref<80x128xf32, #tpu.memory_space<vmem>>
        %dma_wait3A_178 = arith.constant 0 : i32
        %dma_wait3A_179 = tpu.memref_slice %arg6[%dma_wait3A_178] : memref<400xi32, #tpu.memory_space<vmem>> -> memref<80xi32, #tpu.memory_space<vmem>>
        %dma_wait3A_180 = arith.constant 0 : i32
        %dma_wait3A_181 = arith.constant 0 : i32
        %dma_wait3A_182 = tpu.memref_slice %arg3[%dma_wait3A_180, %dma_wait3A_181] : memref<100000x128xf32, #tpu.memory_space<hbm>> -> memref<100000x128xf32, #tpu.memory_space<hbm>>
        tpu.wait_indirect_dma semaphore(%arg12 : memref<!tpu.dma_semaphore, #tpu.memory_space<semaphore_mem>>) src(%dma_wait3A_182 : memref<100000x128xf32, #tpu.memory_space<hbm>>) dst(%dma_wait3A_177 : memref<80x128xf32, #tpu.memory_space<vmem>>)
        %dma_wait3A_183 = arith.constant 80 : i32
        %dma_wait3A_184 = arith.constant 0 : i32
        %dma_wait3A_185 = tpu.memref_slice %arg8[%dma_wait3A_183, %dma_wait3A_184] : memref<400x128xf32, #tpu.memory_space<vmem>> -> memref<80x128xf32, #tpu.memory_space<vmem>>
        %dma_wait3A_186 = arith.constant 80 : i32
        %dma_wait3A_187 = tpu.memref_slice %arg6[%dma_wait3A_186] : memref<400xi32, #tpu.memory_space<vmem>> -> memref<80xi32, #tpu.memory_space<vmem>>
        %dma_wait3A_188 = arith.constant 0 : i32
        %dma_wait3A_189 = arith.constant 0 : i32
        %dma_wait3A_190 = tpu.memref_slice %arg3[%dma_wait3A_188, %dma_wait3A_189] : memref<100000x128xf32, #tpu.memory_space<hbm>> -> memref<100000x128xf32, #tpu.memory_space<hbm>>
        tpu.wait_indirect_dma semaphore(%arg12 : memref<!tpu.dma_semaphore, #tpu.memory_space<semaphore_mem>>) src(%dma_wait3A_190 : memref<100000x128xf32, #tpu.memory_space<hbm>>) dst(%dma_wait3A_185 : memref<80x128xf32, #tpu.memory_space<vmem>>)
        %dma_wait3A_191 = arith.constant 160 : i32
        %dma_wait3A_192 = arith.constant 0 : i32
        %dma_wait3A_193 = tpu.memref_slice %arg8[%dma_wait3A_191, %dma_wait3A_192] : memref<400x128xf32, #tpu.memory_space<vmem>> -> memref<80x128xf32, #tpu.memory_space<vmem>>
        %dma_wait3A_194 = arith.constant 160 : i32
        %dma_wait3A_195 = tpu.memref_slice %arg6[%dma_wait3A_194] : memref<400xi32, #tpu.memory_space<vmem>> -> memref<80xi32, #tpu.memory_space<vmem>>
        %dma_wait3A_196 = arith.constant 0 : i32
        %dma_wait3A_197 = arith.constant 0 : i32
        %dma_wait3A_198 = tpu.memref_slice %arg3[%dma_wait3A_196, %dma_wait3A_197] : memref<100000x128xf32, #tpu.memory_space<hbm>> -> memref<100000x128xf32, #tpu.memory_space<hbm>>
        tpu.wait_indirect_dma semaphore(%arg12 : memref<!tpu.dma_semaphore, #tpu.memory_space<semaphore_mem>>) src(%dma_wait3A_198 : memref<100000x128xf32, #tpu.memory_space<hbm>>) dst(%dma_wait3A_193 : memref<80x128xf32, #tpu.memory_space<vmem>>)
        %dma_wait3A_199 = arith.constant 240 : i32
        %dma_wait3A_200 = arith.constant 0 : i32
        %dma_wait3A_201 = tpu.memref_slice %arg8[%dma_wait3A_199, %dma_wait3A_200] : memref<400x128xf32, #tpu.memory_space<vmem>> -> memref<80x128xf32, #tpu.memory_space<vmem>>
        %dma_wait3A_202 = arith.constant 240 : i32
        %dma_wait3A_203 = tpu.memref_slice %arg6[%dma_wait3A_202] : memref<400xi32, #tpu.memory_space<vmem>> -> memref<80xi32, #tpu.memory_space<vmem>>
        %dma_wait3A_204 = arith.constant 0 : i32
        %dma_wait3A_205 = arith.constant 0 : i32
        %dma_wait3A_206 = tpu.memref_slice %arg3[%dma_wait3A_204, %dma_wait3A_205] : memref<100000x128xf32, #tpu.memory_space<hbm>> -> memref<100000x128xf32, #tpu.memory_space<hbm>>
        tpu.wait_indirect_dma semaphore(%arg12 : memref<!tpu.dma_semaphore, #tpu.memory_space<semaphore_mem>>) src(%dma_wait3A_206 : memref<100000x128xf32, #tpu.memory_space<hbm>>) dst(%dma_wait3A_201 : memref<80x128xf32, #tpu.memory_space<vmem>>)
        %dma_wait3A_207 = arith.constant 320 : i32
        %dma_wait3A_208 = arith.constant 0 : i32
        %dma_wait3A_209 = tpu.memref_slice %arg8[%dma_wait3A_207, %dma_wait3A_208] : memref<400x128xf32, #tpu.memory_space<vmem>> -> memref<80x128xf32, #tpu.memory_space<vmem>>
        %dma_wait3A_210 = arith.constant 320 : i32
        %dma_wait3A_211 = tpu.memref_slice %arg6[%dma_wait3A_210] : memref<400xi32, #tpu.memory_space<vmem>> -> memref<80xi32, #tpu.memory_space<vmem>>
        %dma_wait3A_212 = arith.constant 0 : i32
        %dma_wait3A_213 = arith.constant 0 : i32
        %dma_wait3A_214 = tpu.memref_slice %arg3[%dma_wait3A_212, %dma_wait3A_213] : memref<100000x128xf32, #tpu.memory_space<hbm>> -> memref<100000x128xf32, #tpu.memory_space<hbm>>
        tpu.wait_indirect_dma semaphore(%arg12 : memref<!tpu.dma_semaphore, #tpu.memory_space<semaphore_mem>>) src(%dma_wait3A_214 : memref<100000x128xf32, #tpu.memory_space<hbm>>) dst(%dma_wait3A_209 : memref<80x128xf32, #tpu.memory_space<vmem>>)
      } else {
      }
      %ge3A_165 = arith.constant 0 : i32
      %ge3A_166 = arith.cmpi sge, %add3A_105, %ge3A_165 : i32
      %mul3A_167 = arith.constant 32 : i32
      %mul3A_168 = arith.muli %add3A_105, %mul3A_167 : i32
      %add3A_169 = arith.addi %add3A, %mul3A_168 : i32
      %lt3A_170 = arith.constant 1500 : i32
      %lt3A_171 = arith.cmpi slt, %add3A_169, %lt3A_170 : i32
      %and3A_172 = arith.andi %ge3A_166, %lt3A_171 : i1
      %convert_element_type3A_173 = arith.extui %and3A_172 : i1 to i32
      %cond3A_174 = arith.constant 0 : i32
      %cond3A_175 = arith.cmpi ne, %convert_element_type3A_173, %cond3A_174 : i32
      scf.if %cond3A_175 {
        %mul3A_176 = arith.constant 32 : i32
        %mul3A_177 = arith.muli %add3A_105, %mul3A_176 : i32
        %add3A_178 = arith.addi %add3A, %mul3A_177 : i32
        %jit3A = arith.constant 500 : i32
        %div3A = arith.divsi %add3A_178, %jit3A : i32
        %sign3A = arith.constant 0 : i32
        %sign3A_179 = arith.cmpi sgt, %add3A_178, %sign3A : i32
        %sign3A_180 = arith.extui %sign3A_179 : i1 to i32
        %sign3A_181 = arith.constant 0 : i32
        %sign3A_182 = arith.cmpi slt, %add3A_178, %sign3A_181 : i32
        %sign3A_183 = arith.extui %sign3A_182 : i1 to i32
        %sign3A_184 = arith.subi %sign3A_180, %sign3A_183 : i32
        %sign3A_185 = arith.constant 0 : i32
        %sign3A_186 = arith.cmpi sgt, %jit3A, %sign3A_185 : i32
        %sign3A_187 = arith.extui %sign3A_186 : i1 to i32
        %sign3A_188 = arith.constant 0 : i32
        %sign3A_189 = arith.cmpi slt, %jit3A, %sign3A_188 : i32
        %sign3A_190 = arith.extui %sign3A_189 : i1 to i32
        %sign3A_191 = arith.subi %sign3A_187, %sign3A_190 : i32
        %ne3A = arith.cmpi ne, %sign3A_184, %sign3A_191 : i32
        %rem3A = arith.remsi %add3A_178, %jit3A : i32
        %ne3A_192 = arith.constant 0 : i32
        %ne3A_193 = arith.cmpi ne, %rem3A, %ne3A_192 : i32
        %and3A_194 = arith.andi %ne3A, %ne3A_193 : i1
        %sub3A_195 = arith.constant 1 : i32
        %sub3A_196 = arith.subi %div3A, %sub3A_195 : i32
        %select_n3A = arith.select %and3A_194, %sub3A_196, %div3A : i32
        %jit3A_197 = arith.constant 500 : i32
        %eq3A = arith.constant 0 : i32
        %eq3A_198 = arith.cmpi eq, %jit3A_197, %eq3A : i32
        %jit3A_199 = arith.constant 1 : i32
        %select_n3A_200 = arith.select %eq3A_198, %jit3A_199, %jit3A_197 : i32
        %rem3A_201 = arith.remsi %add3A_178, %select_n3A_200 : i32
        %ne3A_202 = arith.constant 0 : i32
        %ne3A_203 = arith.cmpi ne, %rem3A_201, %ne3A_202 : i32
        %lt3A_204 = arith.constant 0 : i32
        %lt3A_205 = arith.cmpi slt, %rem3A_201, %lt3A_204 : i32
        %lt3A_206 = arith.constant 0 : i32
        %lt3A_207 = arith.cmpi slt, %select_n3A_200, %lt3A_206 : i32
        %ne3A_208 = arith.xori %lt3A_205, %lt3A_207 : i1
        %and3A_209 = arith.andi %ne3A_208, %ne3A_203 : i1
        %add3A_210 = arith.addi %rem3A_201, %select_n3A_200 : i32
        %select_n3A_211 = arith.select %and3A_209, %add3A_210, %rem3A_201 : i32
        %mul3A_212 = arith.constant 400 : i32
        %mul3A_213 = arith.muli %select_n3A_211, %mul3A_212 : i32
        %dma_start3A = arith.constant 0 : i32
        %dma_start3A_214 = tpu.memref_slice %arg4[%select_n3A, %mul3A_213, %dma_start3A] : memref<3x200000x128xf32, #tpu.memory_space<hbm>> -> memref<1x400x128xf32, #tpu.memory_space<hbm>>
        %dma_start3A_215 = tpu.memref_squeeze %dma_start3A_214 : memref<1x400x128xf32, #tpu.memory_space<hbm>> -> memref<400x128xf32, #tpu.memory_space<hbm>>
        %dma_start3A_216 = arith.constant 0 : i32
        %dma_start3A_217 = tpu.memref_slice %arg4[%select_n3A, %mul3A_213, %dma_start3A_216] : memref<3x200000x128xf32, #tpu.memory_space<hbm>> -> memref<1x400x128xf32, #tpu.memory_space<hbm>>
        %dma_start3A_218 = tpu.memref_squeeze %dma_start3A_217 : memref<1x400x128xf32, #tpu.memory_space<hbm>> -> memref<400x128xf32, #tpu.memory_space<hbm>>
        tpu.enqueue_dma source(%arg8 : memref<400x128xf32, #tpu.memory_space<vmem>>) target(%dma_start3A_218 : memref<400x128xf32, #tpu.memory_space<hbm>>) target_semaphore(%arg14 : memref<!tpu.dma_semaphore, #tpu.memory_space<semaphore_mem>>)
      } else {
      }
    }
    %scan3A_10 = arith.constant 24 : i32
    %add3A_11 = arith.constant 1472 : i32
    %add3A_12 = arith.addi %add3A, %add3A_11 : i32
    %lt3A_13 = arith.constant 1500 : i32
    %lt3A_14 = arith.cmpi slt, %add3A_12, %lt3A_13 : i32
    %and3A_15 = arith.constant true
    %and3A_16 = arith.andi %and3A_15, %lt3A_14 : i1
    %convert_element_type3A_17 = arith.extui %and3A_16 : i1 to i32
    %cond3A_18 = arith.constant 0 : i32
    %cond3A_19 = arith.cmpi ne, %convert_element_type3A_17, %cond3A_18 : i32
    scf.if %cond3A_19 {
      %dma_wait3A = arith.constant 0 : i32
      %dma_wait3A_29 = arith.constant 0 : i32
      %dma_wait3A_30 = arith.constant 0 : i32
      %dma_wait3A_31 = tpu.memref_slice %arg4[%dma_wait3A, %dma_wait3A_29, %dma_wait3A_30] : memref<3x200000x128xf32, #tpu.memory_space<hbm>> -> memref<1x400x128xf32, #tpu.memory_space<hbm>>
      %dma_wait3A_32 = tpu.memref_squeeze %dma_wait3A_31 : memref<1x400x128xf32, #tpu.memory_space<hbm>> -> memref<400x128xf32, #tpu.memory_space<hbm>>
      %dma_wait3A_33 = arith.constant 0 : i32
      %dma_wait3A_34 = arith.constant 0 : i32
      %dma_wait3A_35 = tpu.memref_slice %arg4[%dma_wait3A, %dma_wait3A_33, %dma_wait3A_34] : memref<3x200000x128xf32, #tpu.memory_space<hbm>> -> memref<1x400x128xf32, #tpu.memory_space<hbm>>
      %dma_wait3A_36 = tpu.memref_squeeze %dma_wait3A_35 : memref<1x400x128xf32, #tpu.memory_space<hbm>> -> memref<400x128xf32, #tpu.memory_space<hbm>>
      tpu.wait_dma2 semaphore(%arg13 : memref<!tpu.dma_semaphore, #tpu.memory_space<semaphore_mem>>) src(%arg7 : memref<400x128xf32, #tpu.memory_space<vmem>>) dst(%dma_wait3A_36 : memref<400x128xf32, #tpu.memory_space<hbm>>)
    } else {
    }
    %add3A_20 = arith.constant 1504 : i32
    %add3A_21 = arith.addi %add3A, %add3A_20 : i32
    %lt3A_22 = arith.constant 1500 : i32
    %lt3A_23 = arith.cmpi slt, %add3A_21, %lt3A_22 : i32
    %and3A_24 = arith.constant true
    %and3A_25 = arith.andi %and3A_24, %lt3A_23 : i1
    %convert_element_type3A_26 = arith.extui %and3A_25 : i1 to i32
    %cond3A_27 = arith.constant 0 : i32
    %cond3A_28 = arith.cmpi ne, %convert_element_type3A_26, %cond3A_27 : i32
    scf.if %cond3A_28 {
      %dma_wait3A = arith.constant 0 : i32
      %dma_wait3A_29 = arith.constant 0 : i32
      %dma_wait3A_30 = arith.constant 0 : i32
      %dma_wait3A_31 = tpu.memref_slice %arg4[%dma_wait3A, %dma_wait3A_29, %dma_wait3A_30] : memref<3x200000x128xf32, #tpu.memory_space<hbm>> -> memref<1x400x128xf32, #tpu.memory_space<hbm>>
      %dma_wait3A_32 = tpu.memref_squeeze %dma_wait3A_31 : memref<1x400x128xf32, #tpu.memory_space<hbm>> -> memref<400x128xf32, #tpu.memory_space<hbm>>
      %dma_wait3A_33 = arith.constant 0 : i32
      %dma_wait3A_34 = arith.constant 0 : i32
      %dma_wait3A_35 = tpu.memref_slice %arg4[%dma_wait3A, %dma_wait3A_33, %dma_wait3A_34] : memref<3x200000x128xf32, #tpu.memory_space<hbm>> -> memref<1x400x128xf32, #tpu.memory_space<hbm>>
      %dma_wait3A_36 = tpu.memref_squeeze %dma_wait3A_35 : memref<1x400x128xf32, #tpu.memory_space<hbm>> -> memref<400x128xf32, #tpu.memory_space<hbm>>
      tpu.wait_dma2 semaphore(%arg14 : memref<!tpu.dma_semaphore, #tpu.memory_space<semaphore_mem>>) src(%arg8 : memref<400x128xf32, #tpu.memory_space<vmem>>) dst(%dma_wait3A_36 : memref<400x128xf32, #tpu.memory_space<hbm>>)
    } else {
    }
    return
  }
}

</mosaic_0001>

<sc_bundles>
// kernel: kernel.3.cloned.1.call-start
scs
__scs_entry_jumppad:
0x0: {  	(pc) =	sbr.rel $0x88, $3  }
0x1: {  	(tag) =	ssettag $0x0;
	lr =	simm.s32 $0x1  }
0x2: {  	[smem:$0x3F9F] =	sst lr;
	_ =	strace $0xD0000000  }
0x3: {  	_ = 	snop  }
0x4: {  	_ = 	snop  }
0x5: {  	_ = 	snop  }
0x6: {  	_ = 	snop  }
0x7: {  	_ = 	snop  }
__scs_overlays_trampoline_lowered:
0x8: {  	[smem:$0x3FAE] =	sst s0  }
0x9: {  	[smem:$0x3FAF] =	sst s1  }
0xa: {  	[smem:$0x3FB0] =	sst s2  }
0xb: {  	[smem:$0x3FB1] =	sst s3  }
0xc: {  	[smem:$0x3FB2] =	sst s4  }
0xd: {  	[smem:$0x3FB3] =	sst s5  }
0xe: {  	[smem:$0x3FB4] =	sst s6  }
0xf: {  	[smem:$0x3FB5] =	sst s7  }
0x10: {  	[smem:$0x3FB6] =	sst s8  }
0x11: {  	[smem:$0x3FB7] =	sst s9;
	s0 =	simm.s32 @!p0 $0x0  }
0x12: {  	s1 =	sld [smem:$0x3F9D];
	s0 =	simm.s32 @p0 $0x1  }
0x13: {  	[smem:$0x3FB8] =	sst s0;
	s0 =	simm.s32 @!p1 $0x0  }
0x14: {  	s2 =	sld [smem:$0x3F9C];
	s0 =	simm.s32 @p1 $0x1  }
0x15: {  	[smem:$0x3FB9] =	sst s0;
	s0 =	simm.s32 @!p2 $0x0  }
0x16: {  	s3 =	sld [smem:$0x3FDB];
	s0 =	simm.s32 @p2 $0x1  }
0x17: {  	s4 =	simm.s32 $0x1BF5;
	[smem:$0x3FBB] =	sst s0  }
0x18: {  	s0 =	sld [smem:$0x3F9E];
	_ =	swait.ge [sflag:s4], $0x0  }
0x19: {  	s7 =	sld [smem:$0x3F9F]  }
0x1a: {  	s8 =	sadd.s32 $0xFFFFE003, lr  }
0x1b: {  	s9 =	sadd.s32 $0xFFFFFEF7, lr;
	s5 =	simm.s32 $0xFFFFFFFF;
	p2 =	slt.u32 s8, $0xFFFFF086  }
0x1c: {  	p1 =	slt.u32 s9, $0xF7A;
	s5 =	simm.s32 @!p2 $0x0  }
0x1d: {  	s5 =	simm.s32 @p1 $0x1;
	p0 =	seq.s32 s7, s2  }
0x1e: {  	s7 =	smul.u32 @!p0 $0xF7A, s2;
	p2 =	seq.s32 @!p0 s5, $0x0  }
0x1f: {  	s9 =	smul.u32 $0xF7A, s1;
	s8 =	simm.s32 @!p0 $0x1BF5;
	p2 =	por !p2, p0  }
0x20: {  	[sflag:s8] =	ssyncset.s32 @!p0 $0xFFFFF086;
	s6 =	sadd.s32 @!p0 s3, s7;
	s7 =	simm.s32 @!p0 $0x108  }
0x21: {  	s3 =	sadd.s32 s3, s9;
	s6 =	sadd.s32 @!p0 $0x88, s6;
	s7 =	simm.s32 @p2 $0x1082  }
0x22: {  	[simem:s7], [sflag:s8] =	dma.local @!p0 [hbm:s6], $0xF7A  }
0x23: {  	s9 =	sor.u32 $0xD0000000, s2;
	s6 =	simm.s32 $0x108;
	_ =	swait.ge @!p0 [sflag:s8], $0x0  }
0x24: {  	s3 =	sadd.s32 $0x88, s3;
	s6 =	simm.s32 @!p1 $0x1082;
	[sflag:s4] =	ssyncset.s32 $0xFFFFF086  }
0x25: {  	[simem:s6], [sflag:s4] =	dma.local [hbm:s3], $0xF7A  }
0x26: {  	[smem:$0x3F9F] =	sst s1;
	(tag) =	ssettag s2;
	_ =	strace s9  }
0x27: {  	s1 =	sld [smem:$0x3FAF]  }
0x28: {  	s2 =	sld [smem:$0x3FB0]  }
0x29: {  	s4 =	sld [smem:$0x3FB2]  }
0x2a: {  	p0 =	seq.s32 s5, $0x0;
	s5 =	sld [smem:$0x3FB3]  }
0x2b: {  	s6 =	sld [smem:$0x3FB4]  }
0x2c: {  	s7 =	sld [smem:$0x3FB5]  }
0x2d: {  	s3 =	simm.s32 $0x108;
	s8 =	sld [smem:$0x3FB6]  }
0x2e: {  	s3 =	simm.s32 @!p0 $0x1082;
	s9 =	sld [smem:$0x3FB7]  }
0x2f: {  	lr =	sadd.s32 s0, s3;
	s0 =	sld [smem:$0x3FAE]  }
0x30: {  	s3 =	sld [smem:$0x3FB1]  }
0x31: {  	[smem:$0x3FBA] =	sst s10  }
0x32: {  	s10 =	sld [smem:$0x3FB8];
	_ =	sdelay $0x3  }
0x33: {  	p0 =	seq.s32 s10, $0x1;
	s10 =	sld [smem:$0x3FBA];
	_ =	sdelay $0x3  }
0x34: {  	[smem:$0x3FBA] =	sst s10  }
0x35: {  	s10 =	sld [smem:$0x3FB9];
	_ =	sdelay $0x3  }
0x36: {  	p1 =	seq.s32 s10, $0x1;
	s10 =	sld [smem:$0x3FBA];
	_ =	sdelay $0x3  }
0x37: {  	[smem:$0x3FBA] =	sst s10  }
0x38: {  	s10 =	sld [smem:$0x3FBB]  }
0x39: {  	_ = 	snop;
	(pc) =	sbr.ind lr, $3  }
0x3a: {  	_ = 	snop  }
0x3b: {  	_ = 	snop  }
0x3c: {  	p2 =	seq.s32 s10, $0x1;
	s10 =	sld [smem:$0x3FBA]  }
0x3d: {  	_ =	shalt  }
0x3e: {  	_ =	shalt  }
0x3f: {  	_ =	shalt  }
0x40: {  	_ =	shalt  }
0x41: {  	_ =	shalt  }
0x42: {  	_ =	shalt  }
0x43: {  	_ =	shalt  }
0x44: {  	_ =	shalt  }
0x45: {  	_ =	shalt  }
0x46: {  	_ =	shalt  }
0x47: {  	_ =	shalt  }
0x48: {  	_ =	shalt  }
0x49: {  	_ =	shalt  }
0x4a: {  	_ =	shalt  }
0x4b: {  	_ =	shalt  }
0x4c: {  	_ =	shalt  }
0x4d: {  	_ =	shalt  }
0x4e: {  	_ =	shalt  }
0x4f: {  	_ =	shalt  }
0x50: {  	_ =	shalt  }
0x51: {  	_ =	shalt  }
0x52: {  	_ =	shalt  }
0x53: {  	_ =	shalt  }
0x54: {  	_ =	shalt  }
0x55: {  	_ =	shalt  }
0x56: {  	_ =	shalt  }
0x57: {  	_ =	shalt  }
0x58: {  	_ =	shalt  }
0x59: {  	_ =	shalt  }
0x5a: {  	_ =	shalt  }
0x5b: {  	_ =	shalt  }
0x5c: {  	_ =	shalt  }
0x5d: {  	_ =	shalt  }
0x5e: {  	_ =	shalt  }
0x5f: {  	_ =	shalt  }
0x60: {  	_ =	shalt  }
0x61: {  	_ =	shalt  }
0x62: {  	_ =	shalt  }
0x63: {  	_ =	shalt  }
0x64: {  	_ =	shalt  }
0x65: {  	_ =	shalt  }
0x66: {  	_ =	shalt  }
0x67: {  	_ =	shalt  }
0x68: {  	_ =	shalt  }
0x69: {  	_ =	shalt  }
0x6a: {  	_ =	shalt  }
0x6b: {  	_ =	shalt  }
0x6c: {  	_ =	shalt  }
0x6d: {  	_ =	shalt  }
0x6e: {  	_ =	shalt  }
0x6f: {  	_ =	shalt  }
0x70: {  	_ =	shalt  }
0x71: {  	_ =	shalt  }
0x72: {  	_ =	shalt  }
0x73: {  	_ =	shalt  }
0x74: {  	_ =	shalt  }
0x75: {  	_ =	shalt  }
0x76: {  	_ =	shalt  }
0x77: {  	_ =	shalt  }
0x78: {  	_ =	shalt  }
0x79: {  	_ =	shalt  }
0x7a: {  	_ =	shalt  }
0x7b: {  	_ =	shalt  }
0x7c: {  	_ =	shalt  }
0x7d: {  	_ =	shalt  }
0x7e: {  	_ =	shalt  }
0x7f: {  	_ =	shalt  }
0x80: {  	_ =	shalt  }
0x81: {  	_ =	shalt  }
0x82: {  	_ =	shalt  }
0x83: {  	_ =	shalt  }
0x84: {  	_ =	shalt  }
0x85: {  	_ =	shalt  }
0x86: {  	_ =	shalt  }
0x87: {  	_ =	shalt  }
.Lfunc_end0:
.L_simem_size_0:
called_computation_lowered:
.L_overlay_start_0:
0x88: {  	s2 =	sld [smem:$0x3FD9]  }
0x89: {  	s3 =	sld [smem:$0x3FFE];
	_ =	sdelay $0x1  }
0x8a: {  	s1 =	srdreg.scid  }
0x8b: {  	s0 =	sand.u32 $0x1, s1  }
0x8c: {  	s17 =	sshll.u32 s0, $0xA;
	s2 =	sadd.s32 s3, s2  }
0x8d: {  	s2 =	sadd.s32 s2, s17  }
0x8e: {  	[smem:$0x3FC6] =	sst s2  }
0x8f: {  	_ = 	snop  }
0x90: {  	s2 =	sld [smem:$0x3FC8]  }
0x91: {  	s18 =	sld [smem:$0x3FD0];
	(tm) =	ssettm $0x1  }
0x92: {  	s4 =	sld [smem:$0x3FFB];
	_ =	sdelay $0x3  }
0x93: {  	_ =	strace s4  }
0x94: {  	s4 =	sld [smem:$0x3FFC];
	_ =	sdelay $0x3  }
0x95: {  	_ =	strace s4  }
0x96: {  	s4 =	sld [smem:$0x3FFD];
	_ =	sdelay $0x3  }
0x97: {  	_ =	strace s4  }
0x98: {  	_ =	strace $0x8FFFFFFF  }
0x99: {  	s19 =	sld [smem:$0x3FDB];
	_ =	sdelay $0x1  }
0x9a: {  	s5 =	simm.s32 $_scs_section_size  }
0x9b: {  	s6 =	simm.s32 $_size__tile_overlayer_lowered;
	s7 =	simm.s32 $_tile_overlayer_lowered  }
0x9c: {  	s22 =	simm.s32 $0x1BFF;
	s21 =	sshll.u32 s7, $0x1;
	s4 =	sadd.s32 s5, s19  }
0x9d: {  	s8 =	simm.s32 $0x0;
	s20 =	sshll.u32 s6, $0x1;
	s6 =	sadd.s32 s21, s4  }
0x9e: {  	[timem:s8], [sflag:s22] =	dma.local [hbm:s6], s20  }
0x9f: {  	_ =	swait.ge [sflag:s22], s20  }
0xa0: {  	s5 =	ssub.s32 $0x0, s20;
	[sflag:s22] =	ssyncset.done $0x0  }
0xa1: {  	[sflag:s22] =	ssyncadd.s32 s5;
	_ =	sdelay $0x1  }
0xa2: {  	s23 =	simm.s32 $0x1B8B  }
0xa3: {  	_ =	swait.ge [sflag:s23], $0x1  }
0xa4: {  	[sflag:s23] =	ssyncset.done $0x0  }
0xa5: {  	s25 =	simm.s32 $0x1B8E;
	s24 =	sld [smem:$0x3FFE];
	[sflag:s23] =	ssyncadd.s32 $0xFFFFFFFF  }
0xa6: {  	s26 =	simm.s32 $execute0_lowered;
	[smem:$0x3FD2] =	sst s25  }
0xa7: {  	s6 =	sshll.u32 s26, $0x1;
	_ =	strace $0x80000046;
	[dreg:$0x1] =	wrdreg $0xFFFFFFFF  }
0xa8: {  	s28 =	simm.s32 $_size_execute0_lowered;
	s4 =	sadd.s32 s4, s6;
	[dreg:$0x0] =	wrdreg $0x0  }
0xa9: {  	s6 =	sshll.u32 s28, $0x1;
	[dreg:$0x2] =	wrdreg s4  }
0xaa: {  	[dreg:$0x3] =	wrdreg s6  }
0xab: {  	[dreg:$0x4] =	wrdreg $0xC0  }
0xac: {  	_ =	task [dreg:s8], $0x5FFFF  }
0xad: {  	[dreg:$0x1] =	wrdreg $0xFFFFFFFF  }
0xae: {  	[dreg:$0x0] =	wrdreg $0x60  }
0xaf: {  	[dreg:$0x2] =	wrdreg s24  }
0xb0: {  	[dreg:$0x3] =	wrdreg s2  }
0xb1: {  	[dreg:$0x4] =	wrdreg s18  }
0xb2: {  	[dreg:$0x5] =	wrdreg $0x9  }
0xb3: {  	_ =	task.clear_ibuf [dreg:s8], $0x6FFFF;
	_ =	strace $0x90000046  }
0xb4: {  	s29 =	simm.s32 $0x9;
	_ =	strace $0x80000048  }
0xb5: {  	_ =	swait.ge [sflag:s29], $0x1  }
0xb6: {  	[sflag:s29] =	ssyncadd.s32 $0xFFFFFFFF  }
0xb7: {  	_ =	strace $0x90000048  }
0xb8: {  	_ =	sfence  }
0xb9: {  	s30 =	sld [smem:$0x0];
	_ =	sdelay $0x2  }
0xba: {  	s31 =	sshll.u32 s1, $0xD;
	s1 =	sshrl.u32 s1, $0x2  }
0xbb: {  	s3 =	sand.u32 $0x4000, s31;
	s1 =	sadd.s32 s1, s30  }
0xbc: {  	s0 =	sor.u32 s3, s0;
	s1 =	sshll.u32 s1, $0x11  }
0xbd: {  	s0 =	sor.u32 s1, s0  }
0xbe: {  	s0 =	sadd.s32 $0x8F2B, s0  }
0xbf: {  	[sflag:s0] =	ssyncadd.remote.s32 $0x1  }
0xc0: {  	_ =	sfence.sel $0xFFFF  }
0xc1: {  	[dreg:$0x0] =	wrdreg $0xFFFFFFFF;
	(pc) =	sbr.abs _section_cstart, $3  }
0xc2: {  	[dreg:$0x1] =	wrdreg $0xFFFFFFFF  }
0xc3: {  	_ =	task.clear_ibuf [dreg:s8], $0x2FFFF;
	_ =	strace $0x9FFFFFFF  }
0xc4: {  	(tm) =	ssettm $0x7FFFFFFF  }
0xc5: {  	_ =	shalt  }
tec
execute0_lowered:
.L_overlay_start_1:
0x0: {  	(tag) =	ssettag $0x1  }
0x1: {  	s6 =	rddreg [dreg:$0x0]  }
0x2: {  	s1 =	srdreg.scid;
	s2 =	rddreg [dreg:$0x1]  }
0x3: {  	s0 =	stileid.u32;
	s3 =	rddreg [dreg:$0x2]  }
0x4: {  	s5 =	simm.s32 $0x0;
	s7 =	sand.u32 $0x1, s1;
	s1 =	rddreg [dreg:$0x3]  }
0x5: {  	s28 =	sshll.u32 s0, $0x1;
	[smem:$0x7FF] =	sst s5;
	s10 =	smul.u32 $0x64, s0  }
0x6: {  	s6 =	sadd.s32 $0x400, s6;
	p0 =	sgt.u32 s0, $0xD;
	s4 =	sor.u32 s7, s28  }
0x7: {  	s9 =	ssub.s32 $0x2, s7;
	s12 =	smul.u32 $0x32, s7;
	_ =	strace $0x80000047  }
0x8: {  	s8 =	smul.u32 $0x32, s4;
	s11 =	sshrl.u32 s9, $0x1;
	s30 =	sadd.s32 s10, s6  }
0x9: {  	s29 =	ssub.s32 s9, s11;
	s31 =	sadd.s32 s12, s30;
	s9 =	simm.s32 $0x0  }
0xa: {  	s6 =	sadd.s32 s6, s8;
	s7 =	smax.u32 s29, $0x1;
	s8 =	sadd.s32 $0xC80, s31  }
.LBB2_1:
0xb: {  	[tilespmem:s5], [sflag:$0x1] =	stream.linear.gather [hbm4b:s6+s5], $0x190, $0x38;
	[tilespmem:$0x19400] =	vst v63  }
0xc: {  	p2 =	por $0x1, $0x1  }
0xd: {  	s10 =	simm.s32 @!p2 $0x5  }
0xe: {  	s12 =	sadd.s32 $0x0, s4;
	_ =	swait.ge @!p2 [sflag:s10], $0xC800  }
0xf: {  	p3 =	sgt.u32 s12, $0x5DB;
	[sflag:s10] =	ssyncset.done @!p2 $0x0  }
0x10: {  	[sflag:s10] =	ssyncadd.s32 @!p2 $0xFFFF3800;
	s10 =	simm.s32 @!p3 $0x1  }
0x11: {  	_ =	swait.ge @!p3 [sflag:s10], $0x190  }
0x12: {  	s13 =	simm.s32 @!p3 $0x400;
	[sflag:s10] =	ssyncset.done @!p3 $0x0  }
0x13: {  	s11 =	simm.s32 @!p3 $0x50;
	s14 =	simm.s32 @!p3 $0x0;
	[sflag:s10] =	ssyncadd.s32 @!p3 $0xFFFFFE70  }
0x14: {  	[tilespmem:s13], [sflag:$0x3] =	stream.indirect.gather @!p3 [hbm4b:s2+s11], $0x80, s14, s11, $0xb8;
	[tilespmem:$0x19400] =	vst v63  }
0x15: {  	s10 =	simm.s32 @!p3 $0x2C00  }
0x16: {  	[tilespmem:s10], [sflag:$0x3] =	stream.indirect.gather @!p3 [hbm4b:s2+s11], $0x80, s11, s11, $0xb8;
	[tilespmem:$0x19400] =	vst v63  }
0x17: {  	s15 =	simm.s32 @!p3 $0xA0;
	s16 =	simm.s32 @!p3 $0x5400;
	s17 =	simm.s32 @!p3 $0x3  }
0x18: {  	[tilespmem:s16], [sflag:$0x3] =	stream.indirect.gather @!p3 [hbm4b:s2+s11], $0x80, s15, s11, $0xb8;
	[tilespmem:$0x19400] =	vst v63  }
0x19: {  	s10 =	sadd.s32 $0x20, s12;
	s15 =	simm.s32 @!p3 $0xF0;
	s16 =	simm.s32 @!p3 $0x7C00  }
0x1a: {  	[tilespmem:s16], [sflag:$0x3] =	stream.indirect.gather @!p3 [hbm4b:s2+s11], $0x80, s15, s11, $0xb8;
	[tilespmem:$0x19400] =	vst v63  }
0x1b: {  	p1 =	sgt.u32 s10, $0x5DB;
	s15 =	simm.s32 @!p3 $0x140;
	s16 =	simm.s32 @!p3 $0xA400  }
0x1c: {  	[tilespmem:s16], [sflag:$0x3] =	stream.indirect.gather @!p3 [hbm4b:s2+s11], $0x80, s15, s11, $0xb8;
	[tilespmem:$0x19400] =	vst v63  }
0x1d: {  	s15 =	sadd.s32 @!p1 $0xFFFFF9C0, s8;
	s11 =	simm.s32 @!p1 $0x0;
	s16 =	simm.s32 @!p1 $0x200  }
0x1e: {  	[tilespmem:s16], [sflag:$0x2] =	stream.linear.gather @!p1 [hbm4b:s15+s11], $0x190, $0x38;
	[tilespmem:$0x19400] =	vst v63  }
0x1f: {  	_ =	swait.ge @!p3 [sflag:s17], $0x2800  }
0x20: {  	s15 =	sand.u32 @!p3 $0xFFFC, s12;
	[sflag:s17] =	ssyncset.done @!p3 $0x0  }
0x21: {  	s15 =	sshrl.u32 @!p3 s15, $0x2;
	[sflag:s17] =	ssyncadd.s32 @!p3 $0xFFFFD800  }
0x22: {  	s15 =	smul.u32 @!p3 $0x20C5, s15;
	_ =	swait.ge @!p3 [sflag:s17], $0x2800  }
0x23: {  	[sflag:s17] =	ssyncset.done @!p3 $0x0  }
0x24: {  	s15 =	sshrl.u32 @!p3 s15, $0x14;
	[sflag:s17] =	ssyncadd.s32 @!p3 $0xFFFFD800  }
0x25: {  	s18 =	smul.u32 @!p3 $0x1F4, s15;
	_ =	swait.ge @!p3 [sflag:s17], $0x2800  }
0x26: {  	[sflag:s17] =	ssyncset.done @!p3 $0x0  }
0x27: {  	s18 =	ssub.s32 @!p3 s12, s18;
	[sflag:s17] =	ssyncadd.s32 @!p3 $0xFFFFD800  }
0x28: {  	s15 =	smul.u32 @!p3 $0x186A000, s15;
	s18 =	sand.u32 @!p3 $0xFFFF, s18;
	_ =	swait.ge @!p3 [sflag:s17], $0x2800  }
0x29: {  	s18 =	smul.u32 @!p3 $0xC800, s18;
	[sflag:s17] =	ssyncset.done @!p3 $0x0  }
0x2a: {  	[sflag:s17] =	ssyncadd.s32 @!p3 $0xFFFFD800  }
0x2b: {  	s15 =	sadd.s32 @!p3 s18, s15;
	_ =	swait.ge @!p3 [sflag:s17], $0x2800  }
0x2c: {  	s15 =	sshrl.u32 @!p3 s15, $0x3;
	[sflag:s17] =	ssyncset.done @!p3 $0x0  }
0x2d: {  	s15 =	sadd.s32 @!p3 s3, s15;
	[sflag:s17] =	ssyncadd.s32 @!p3 $0xFFFFD800;
	s17 =	simm.s32 @!p2 $0x6  }
0x2e: {  	[hbm4b:s15+s14] =	stream.linear.scatter @!p3 [tilespmem:s13], [sflag:$0x5], $0xC800, $0x38;
	[tilespmem:$0x19400] =	vst v63  }
0x2f: {  	_ =	swait.ge @!p2 [sflag:s17], $0xC800  }
0x30: {  	[sflag:s17] =	ssyncset.done @!p2 $0x0  }
0x31: {  	s13 =	simm.s32 @!p1 $0x2;
	[sflag:s17] =	ssyncadd.s32 @!p2 $0xFFFF3800  }
0x32: {  	_ =	swait.ge @!p1 [sflag:s13], $0x190  }
0x33: {  	[sflag:s13] =	ssyncset.done @!p1 $0x0  }
0x34: {  	s15 =	simm.s32 @!p1 $0xCC00;
	[sflag:s13] =	ssyncadd.s32 @!p1 $0xFFFFFE70;
	s13 =	simm.s32 @!p1 $0x50  }
0x35: {  	[tilespmem:s15], [sflag:$0x4] =	stream.indirect.gather @!p1 [hbm4b:s2+s13], $0x80, s16, s13, $0xb8;
	[tilespmem:$0x19400] =	vst v63  }
0x36: {  	s14 =	simm.s32 @!p1 $0x250;
	s16 =	simm.s32 @!p1 $0xF400  }
0x37: {  	[tilespmem:s16], [sflag:$0x4] =	stream.indirect.gather @!p1 [hbm4b:s2+s13], $0x80, s14, s13, $0xb8;
	[tilespmem:$0x19400] =	vst v63  }
0x38: {  	s14 =	simm.s32 @!p1 $0x2A0;
	s16 =	simm.s32 @!p1 $0x11C00  }
0x39: {  	[tilespmem:s16], [sflag:$0x4] =	stream.indirect.gather @!p1 [hbm4b:s2+s13], $0x80, s14, s13, $0xb8;
	[tilespmem:$0x19400] =	vst v63  }
0x3a: {  	s12 =	sadd.s32 $0x40, s12;
	s14 =	simm.s32 @!p1 $0x2F0;
	s16 =	simm.s32 @!p1 $0x14400  }
0x3b: {  	[tilespmem:s16], [sflag:$0x4] =	stream.indirect.gather @!p1 [hbm4b:s2+s13], $0x80, s14, s13, $0xb8;
	[tilespmem:$0x19400] =	vst v63  }
0x3c: {  	p2 =	sgt.u32 s12, $0x5DB;
	s14 =	simm.s32 @!p1 $0x340;
	s16 =	simm.s32 @!p1 $0x16C00  }
0x3d: {  	[tilespmem:s16], [sflag:$0x4] =	stream.indirect.gather @!p1 [hbm4b:s2+s13], $0x80, s14, s13, $0xb8;
	[tilespmem:$0x19400] =	vst v63  }
0x3e: {  	s13 =	simm.s32 @!p2 $0x0;
	s14 =	simm.s32 @!p1 $0x4  }
0x3f: {  	[tilespmem:s13], [sflag:$0x1] =	stream.linear.gather @!p2 [hbm4b:s8+s13], $0x190, $0x38;
	[tilespmem:$0x19400] =	vst v63  }
0x40: {  	s12 =	sand.u32 @!p1 $0xFFFC, s10;
	_ =	swait.ge @!p1 [sflag:s14], $0x2800  }
0x41: {  	s12 =	sshrl.u32 @!p1 s12, $0x2;
	[sflag:s14] =	ssyncset.done @!p1 $0x0  }
0x42: {  	s12 =	smul.u32 @!p1 $0x20C5, s12;
	[sflag:s14] =	ssyncadd.s32 @!p1 $0xFFFFD800  }
0x43: {  	_ =	swait.ge @!p1 [sflag:s14], $0x2800  }
0x44: {  	s12 =	sshrl.u32 @!p1 s12, $0x14;
	[sflag:s14] =	ssyncset.done @!p1 $0x0  }
0x45: {  	s13 =	smul.u32 @!p1 $0x1F4, s12;
	[sflag:s14] =	ssyncadd.s32 @!p1 $0xFFFFD800  }
0x46: {  	_ =	swait.ge @!p1 [sflag:s14], $0x2800  }
0x47: {  	s10 =	ssub.s32 @!p1 s10, s13;
	[sflag:s14] =	ssyncset.done @!p1 $0x0  }
0x48: {  	s12 =	smul.u32 @!p1 $0x186A000, s12;
	s10 =	sand.u32 @!p1 $0xFFFF, s10;
	[sflag:s14] =	ssyncadd.s32 @!p1 $0xFFFFD800  }
0x49: {  	s10 =	smul.u32 @!p1 $0xC800, s10;
	_ =	swait.ge @!p1 [sflag:s14], $0x2800  }
0x4a: {  	p2 =	por $0x0, $0x0;
	[sflag:s14] =	ssyncset.done @!p1 $0x0  }
0x4b: {  	s13 =	simm.s32 $0x40;
	s10 =	sadd.s32 @!p1 s10, s12;
	[sflag:s14] =	ssyncadd.s32 @!p1 $0xFFFFD800  }
0x4c: {  	s12 =	simm.s32 $0x80;
	s10 =	sshrl.u32 @!p1 s10, $0x3;
	_ =	swait.ge @!p1 [sflag:s14], $0x2800  }
0x4d: {  	s16 =	sadd.s32 @!p1 s3, s10;
	s10 =	sadd.s32 $0xC80, s8;
	[sflag:s14] =	ssyncset.done @!p1 $0x0  }
.LBB2_2:
0x4e: {  	s17 =	simm.s32 @!p2 $0x5  }
0x4f: {  	[sflag:s14] =	ssyncadd.s32 @!p1 $0xFFFFD800;
	s18 =	smov.u32 s12;
	s12 =	sadd.s32 $0x40, s12  }
0x50: {  	[hbm4b:s16+s11] =	stream.linear.scatter @!p1 [tilespmem:s15], [sflag:$0x6], $0xC800, $0x38;
	[tilespmem:$0x19400] =	vst v63  }
0x51: {  	s19 =	sadd.s32 s13, s4;
	p3 =	sne.s32 s12, $0x600;
	_ =	swait.ge @!p2 [sflag:s17], $0xC800  }
0x52: {  	p4 =	sgt.u32 s19, $0x5DB;
	s16 =	sadd.s32 $0x20, s19;
	[sflag:s17] =	ssyncset.done @!p2 $0x0  }
0x53: {  	s11 =	simm.s32 @!p4 $0x1;
	s13 =	sand.u32 @!p4 $0xFFFC, s19;
	[sflag:s17] =	ssyncadd.s32 @!p2 $0xFFFF3800  }
0x54: {  	s14 =	sadd.s32 $0x40, s19;
	s13 =	sshrl.u32 @!p4 s13, $0x2;
	_ =	swait.ge @!p4 [sflag:s11], $0x190  }
0x55: {  	s15 =	simm.s32 @!p4 $0x400;
	s13 =	smul.u32 @!p4 $0x20C5, s13;
	[sflag:s11] =	ssyncset.done @!p4 $0x0  }
0x56: {  	s17 =	simm.s32 @!p4 $0x0;
	[sflag:s11] =	ssyncadd.s32 @!p4 $0xFFFFFE70;
	s11 =	simm.s32 @!p4 $0x50  }
0x57: {  	[tilespmem:s15], [sflag:$0x3] =	stream.indirect.gather @!p4 [hbm4b:s2+s11], $0x80, s17, s11, $0xb8;
	[tilespmem:$0x19400] =	vst v63  }
0x58: {  	s20 =	simm.s32 @!p4 $0x2C00;
	s21 =	sshrl.u32 @!p4 s13, $0x14;
	s13 =	smov.u32 s18  }
0x59: {  	[tilespmem:s20], [sflag:$0x3] =	stream.indirect.gather @!p4 [hbm4b:s2+s11], $0x80, s11, s11, $0xb8;
	[tilespmem:$0x19400] =	vst v63  }
0x5a: {  	s18 =	simm.s32 @!p4 $0xA0;
	s22 =	smul.u32 @!p4 $0x1F4, s21;
	s20 =	simm.s32 @!p4 $0x5400  }
0x5b: {  	[tilespmem:s20], [sflag:$0x3] =	stream.indirect.gather @!p4 [hbm4b:s2+s11], $0x80, s18, s11, $0xb8;
	[tilespmem:$0x19400] =	vst v63  }
0x5c: {  	s23 =	simm.s32 @!p4 $0x3;
	s18 =	simm.s32 @!p4 $0xF0;
	s20 =	simm.s32 @!p4 $0x7C00  }
0x5d: {  	[tilespmem:s20], [sflag:$0x3] =	stream.indirect.gather @!p4 [hbm4b:s2+s11], $0x80, s18, s11, $0xb8;
	[tilespmem:$0x19400] =	vst v63  }
0x5e: {  	p1 =	sgt.u32 s16, $0x5DB;
	s18 =	simm.s32 @!p4 $0x140;
	s20 =	simm.s32 @!p4 $0xA400  }
0x5f: {  	[tilespmem:s20], [sflag:$0x3] =	stream.indirect.gather @!p4 [hbm4b:s2+s11], $0x80, s18, s11, $0xb8;
	[tilespmem:$0x19400] =	vst v63  }
0x60: {  	s20 =	sadd.s32 @!p1 $0xFFFFF9C0, s10;
	s11 =	simm.s32 @!p1 $0x0;
	s18 =	simm.s32 @!p1 $0x200  }
0x61: {  	[tilespmem:s18], [sflag:$0x2] =	stream.linear.gather @!p1 [hbm4b:s20+s11], $0x190, $0x38;
	[tilespmem:$0x19400] =	vst v63  }
0x62: {  	s19 =	ssub.s32 @!p4 s19, s22;
	s20 =	smul.u32 @!p4 $0x186A000, s21;
	_ =	swait.ge @!p4 [sflag:s23], $0x2800  }
0x63: {  	s19 =	sand.u32 @!p4 $0xFFFF, s19;
	s21 =	sand.u32 @!p1 $0xFFFC, s16;
	[sflag:s23] =	ssyncset.done @!p4 $0x0  }
0x64: {  	s19 =	smul.u32 @!p4 $0xC800, s19;
	s21 =	sshrl.u32 @!p1 s21, $0x2;
	[sflag:s23] =	ssyncadd.s32 @!p4 $0xFFFFD800  }
0x65: {  	s21 =	smul.u32 @!p1 $0x20C5, s21;
	_ =	swait.ge @!p4 [sflag:s23], $0x2800  }
0x66: {  	s19 =	sadd.s32 @!p4 s19, s20;
	[sflag:s23] =	ssyncset.done @!p4 $0x0  }
0x67: {  	s19 =	sshrl.u32 @!p4 s19, $0x3;
	s20 =	sshrl.u32 @!p1 s21, $0x14;
	[sflag:s23] =	ssyncadd.s32 @!p4 $0xFFFFD800  }
0x68: {  	s19 =	sadd.s32 @!p4 s3, s19;
	s21 =	smul.u32 @!p1 $0x1F4, s20;
	_ =	swait.ge @!p4 [sflag:s23], $0x2800  }
0x69: {  	s20 =	smul.u32 @!p1 $0x186A000, s20;
	[sflag:s23] =	ssyncset.done @!p4 $0x0  }
0x6a: {  	s16 =	ssub.s32 @!p1 s16, s21;
	[sflag:s23] =	ssyncadd.s32 @!p4 $0xFFFFD800  }
0x6b: {  	s16 =	sand.u32 @!p1 $0xFFFF, s16;
	_ =	swait.ge @!p4 [sflag:s23], $0x2800  }
0x6c: {  	s16 =	smul.u32 @!p1 $0xC800, s16;
	[sflag:s23] =	ssyncset.done @!p4 $0x0  }
0x6d: {  	[sflag:s23] =	ssyncadd.s32 @!p4 $0xFFFFD800  }
0x6e: {  	s16 =	sadd.s32 @!p1 s16, s20;
	_ =	swait.ge @!p4 [sflag:s23], $0x2800  }
0x6f: {  	s16 =	sshrl.u32 @!p1 s16, $0x3;
	[sflag:s23] =	ssyncset.done @!p4 $0x0  }
0x70: {  	s20 =	simm.s32 @!p2 $0x6;
	s16 =	sadd.s32 @!p1 s3, s16;
	[sflag:s23] =	ssyncadd.s32 @!p4 $0xFFFFD800  }
0x71: {  	[hbm4b:s19+s17] =	stream.linear.scatter @!p4 [tilespmem:s15], [sflag:$0x5], $0xC800, $0x38;
	[tilespmem:$0x19400] =	vst v63  }
0x72: {  	_ =	swait.ge @!p2 [sflag:s20], $0xC800  }
0x73: {  	[sflag:s20] =	ssyncset.done @!p2 $0x0  }
0x74: {  	s15 =	simm.s32 @!p1 $0x2;
	[sflag:s20] =	ssyncadd.s32 @!p2 $0xFFFF3800  }
0x75: {  	_ =	swait.ge @!p1 [sflag:s15], $0x190  }
0x76: {  	[sflag:s15] =	ssyncset.done @!p1 $0x0  }
0x77: {  	s17 =	simm.s32 @!p1 $0x50;
	[sflag:s15] =	ssyncadd.s32 @!p1 $0xFFFFFE70;
	s15 =	simm.s32 @!p1 $0xCC00  }
0x78: {  	[tilespmem:s15], [sflag:$0x4] =	stream.indirect.gather @!p1 [hbm4b:s2+s17], $0x80, s18, s17, $0xb8;
	[tilespmem:$0x19400] =	vst v63  }
0x79: {  	s19 =	simm.s32 @!p1 $0xF400;
	s18 =	simm.s32 @!p1 $0x250  }
0x7a: {  	[tilespmem:s19], [sflag:$0x4] =	stream.indirect.gather @!p1 [hbm4b:s2+s17], $0x80, s18, s17, $0xb8;
	[tilespmem:$0x19400] =	vst v63  }
0x7b: {  	s18 =	simm.s32 @!p1 $0x2A0;
	s19 =	simm.s32 @!p1 $0x11C00  }
0x7c: {  	[tilespmem:s19], [sflag:$0x4] =	stream.indirect.gather @!p1 [hbm4b:s2+s17], $0x80, s18, s17, $0xb8;
	[tilespmem:$0x19400] =	vst v63  }
0x7d: {  	s18 =	simm.s32 @!p1 $0x2F0;
	s19 =	simm.s32 @!p1 $0x14400  }
0x7e: {  	[tilespmem:s19], [sflag:$0x4] =	stream.indirect.gather @!p1 [hbm4b:s2+s17], $0x80, s18, s17, $0xb8;
	[tilespmem:$0x19400] =	vst v63  }
0x7f: {  	p2 =	sgt.u32 s14, $0x5DB;
	s18 =	simm.s32 @!p1 $0x340;
	s19 =	simm.s32 @!p1 $0x16C00  }
0x80: {  	[tilespmem:s19], [sflag:$0x4] =	stream.indirect.gather @!p1 [hbm4b:s2+s17], $0x80, s18, s17, $0xb8;
	[tilespmem:$0x19400] =	vst v63  }
0x81: {  	s14 =	simm.s32 @!p1 $0x4;
	s17 =	simm.s32 @!p2 $0x0  }
0x82: {  	[tilespmem:s17], [sflag:$0x1] =	stream.linear.gather @!p2 [hbm4b:s10+s17], $0x190, $0x38;
	[tilespmem:$0x19400] =	vst v63  }
0x83: {  	_ =	swait.ge @!p1 [sflag:s14], $0x2800  }
0x84: {  	[sflag:s14] =	ssyncset.done @!p1 $0x0  }
0x85: {  	[sflag:s14] =	ssyncadd.s32 @!p1 $0xFFFFD800  }
0x86: {  	_ =	swait.ge @!p1 [sflag:s14], $0x2800  }
0x87: {  	[sflag:s14] =	ssyncset.done @!p1 $0x0  }
0x88: {  	[sflag:s14] =	ssyncadd.s32 @!p1 $0xFFFFD800  }
0x89: {  	_ =	swait.ge @!p1 [sflag:s14], $0x2800  }
0x8a: {  	[sflag:s14] =	ssyncset.done @!p1 $0x0  }
0x8b: {  	[sflag:s14] =	ssyncadd.s32 @!p1 $0xFFFFD800  }
.Ltmp0:
0x8c: {  	_ =	swait.ge @!p1 [sflag:s14], $0x2800;
	(pc) =	sbr.rel @p3 .LBB2_2-.Ltmp0, $4  }
0x8d: {  	[sflag:s14] =	ssyncset.done @!p1 $0x0  }
0x8e: {  	[sflag:s14] =	ssyncadd.s32 @!p1 $0xFFFFD800  }
0x8f: {  	_ =	swait.ge @!p1 [sflag:s14], $0x2800  }
0x90: {  	p2 =	seq.s32 s13, $0x0;
	s10 =	sadd.s32 $0xC80, s10;
	[sflag:s14] =	ssyncset.done @!p1 $0x0  }
0x91: {  	s12 =	simm.s32 @!p2 $0x5;
	[sflag:s14] =	ssyncadd.s32 @!p1 $0xFFFFD800  }
0x92: {  	[hbm4b:s16+s11] =	stream.linear.scatter @!p1 [tilespmem:s15], [sflag:$0x6], $0xC800, $0x38;
	[tilespmem:$0x19400] =	vst v63  }
0x93: {  	s13 =	sadd.s32 s13, s4;
	_ =	swait.ge @!p2 [sflag:s12], $0xC800  }
0x94: {  	p3 =	sgt.u32 s13, $0x5DB;
	[sflag:s12] =	ssyncset.done @!p2 $0x0  }
0x95: {  	s11 =	simm.s32 @!p3 $0x1;
	[sflag:s12] =	ssyncadd.s32 @!p2 $0xFFFF3800  }
0x96: {  	_ =	swait.ge @!p3 [sflag:s11], $0x190  }
0x97: {  	s14 =	simm.s32 @!p3 $0x400;
	[sflag:s11] =	ssyncset.done @!p3 $0x0  }
0x98: {  	s15 =	simm.s32 @!p3 $0x0;
	[sflag:s11] =	ssyncadd.s32 @!p3 $0xFFFFFE70;
	s11 =	simm.s32 @!p3 $0x50  }
0x99: {  	[tilespmem:s14], [sflag:$0x3] =	stream.indirect.gather @!p3 [hbm4b:s2+s11], $0x80, s15, s11, $0xb8;
	[tilespmem:$0x19400] =	vst v63  }
0x9a: {  	s12 =	simm.s32 @!p3 $0x2C00  }
0x9b: {  	[tilespmem:s12], [sflag:$0x3] =	stream.indirect.gather @!p3 [hbm4b:s2+s11], $0x80, s11, s11, $0xb8;
	[tilespmem:$0x19400] =	vst v63  }
0x9c: {  	s16 =	simm.s32 @!p3 $0xA0;
	s17 =	simm.s32 @!p3 $0x5400;
	s18 =	simm.s32 @!p3 $0x3  }
0x9d: {  	[tilespmem:s17], [sflag:$0x3] =	stream.indirect.gather @!p3 [hbm4b:s2+s11], $0x80, s16, s11, $0xb8;
	[tilespmem:$0x19400] =	vst v63  }
0x9e: {  	s12 =	sadd.s32 $0x20, s13;
	s16 =	simm.s32 @!p3 $0xF0;
	s17 =	simm.s32 @!p3 $0x7C00  }
0x9f: {  	[tilespmem:s17], [sflag:$0x3] =	stream.indirect.gather @!p3 [hbm4b:s2+s11], $0x80, s16, s11, $0xb8;
	[tilespmem:$0x19400] =	vst v63  }
0xa0: {  	p1 =	sgt.u32 s12, $0x5DB;
	s16 =	simm.s32 @!p3 $0x140;
	s17 =	simm.s32 @!p3 $0xA400  }
0xa1: {  	[tilespmem:s17], [sflag:$0x3] =	stream.indirect.gather @!p3 [hbm4b:s2+s11], $0x80, s16, s11, $0xb8;
	[tilespmem:$0x19400] =	vst v63  }
0xa2: {  	s16 =	sadd.s32 @!p1 $0xFFFFF9C0, s10;
	s11 =	simm.s32 @!p1 $0x0;
	s17 =	simm.s32 @!p1 $0x200  }
0xa3: {  	[tilespmem:s17], [sflag:$0x2] =	stream.linear.gather @!p1 [hbm4b:s16+s11], $0x190, $0x38;
	[tilespmem:$0x19400] =	vst v63  }
0xa4: {  	_ =	swait.ge @!p3 [sflag:s18], $0x2800  }
0xa5: {  	s16 =	sand.u32 @!p3 $0xFFFC, s13;
	[sflag:s18] =	ssyncset.done @!p3 $0x0  }
0xa6: {  	s16 =	sshrl.u32 @!p3 s16, $0x2;
	[sflag:s18] =	ssyncadd.s32 @!p3 $0xFFFFD800  }
0xa7: {  	s16 =	smul.u32 @!p3 $0x20C5, s16;
	_ =	swait.ge @!p3 [sflag:s18], $0x2800  }
0xa8: {  	[sflag:s18] =	ssyncset.done @!p3 $0x0  }
0xa9: {  	s16 =	sshrl.u32 @!p3 s16, $0x14;
	[sflag:s18] =	ssyncadd.s32 @!p3 $0xFFFFD800  }
0xaa: {  	s19 =	smul.u32 @!p3 $0x1F4, s16;
	_ =	swait.ge @!p3 [sflag:s18], $0x2800  }
0xab: {  	[sflag:s18] =	ssyncset.done @!p3 $0x0  }
0xac: {  	s19 =	ssub.s32 @!p3 s13, s19;
	[sflag:s18] =	ssyncadd.s32 @!p3 $0xFFFFD800  }
0xad: {  	s16 =	smul.u32 @!p3 $0x186A000, s16;
	s19 =	sand.u32 @!p3 $0xFFFF, s19;
	_ =	swait.ge @!p3 [sflag:s18], $0x2800  }
0xae: {  	s19 =	smul.u32 @!p3 $0xC800, s19;
	[sflag:s18] =	ssyncset.done @!p3 $0x0  }
0xaf: {  	[sflag:s18] =	ssyncadd.s32 @!p3 $0xFFFFD800  }
0xb0: {  	s16 =	sadd.s32 @!p3 s19, s16;
	_ =	swait.ge @!p3 [sflag:s18], $0x2800  }
0xb1: {  	s16 =	sshrl.u32 @!p3 s16, $0x3;
	[sflag:s18] =	ssyncset.done @!p3 $0x0  }
0xb2: {  	s16 =	sadd.s32 @!p3 s3, s16;
	[sflag:s18] =	ssyncadd.s32 @!p3 $0xFFFFD800;
	s18 =	simm.s32 @!p2 $0x6  }
0xb3: {  	[hbm4b:s16+s15] =	stream.linear.scatter @!p3 [tilespmem:s14], [sflag:$0x5], $0xC800, $0x38;
	[tilespmem:$0x19400] =	vst v63  }
0xb4: {  	_ =	swait.ge @!p2 [sflag:s18], $0xC800  }
0xb5: {  	[sflag:s18] =	ssyncset.done @!p2 $0x0  }
0xb6: {  	s14 =	simm.s32 @!p1 $0x2;
	[sflag:s18] =	ssyncadd.s32 @!p2 $0xFFFF3800  }
0xb7: {  	_ =	swait.ge @!p1 [sflag:s14], $0x190  }
0xb8: {  	[sflag:s14] =	ssyncset.done @!p1 $0x0  }
0xb9: {  	s15 =	simm.s32 @!p1 $0xCC00;
	[sflag:s14] =	ssyncadd.s32 @!p1 $0xFFFFFE70;
	s14 =	simm.s32 @!p1 $0x50  }
0xba: {  	[tilespmem:s15], [sflag:$0x4] =	stream.indirect.gather @!p1 [hbm4b:s2+s14], $0x80, s17, s14, $0xb8;
	[tilespmem:$0x19400] =	vst v63  }
0xbb: {  	s16 =	simm.s32 @!p1 $0x250;
	s17 =	simm.s32 @!p1 $0xF400  }
0xbc: {  	[tilespmem:s17], [sflag:$0x4] =	stream.indirect.gather @!p1 [hbm4b:s2+s14], $0x80, s16, s14, $0xb8;
	[tilespmem:$0x19400] =	vst v63  }
0xbd: {  	s16 =	simm.s32 @!p1 $0x2A0;
	s17 =	simm.s32 @!p1 $0x11C00  }
0xbe: {  	[tilespmem:s17], [sflag:$0x4] =	stream.indirect.gather @!p1 [hbm4b:s2+s14], $0x80, s16, s14, $0xb8;
	[tilespmem:$0x19400] =	vst v63  }
0xbf: {  	s13 =	sadd.s32 $0x40, s13;
	s16 =	simm.s32 @!p1 $0x2F0;
	s17 =	simm.s32 @!p1 $0x14400  }
0xc0: {  	[tilespmem:s17], [sflag:$0x4] =	stream.indirect.gather @!p1 [hbm4b:s2+s14], $0x80, s16, s14, $0xb8;
	[tilespmem:$0x19400] =	vst v63  }
0xc1: {  	p2 =	sgt.u32 s13, $0x5DB;
	s16 =	simm.s32 @!p1 $0x340;
	s17 =	simm.s32 @!p1 $0x16C00  }
0xc2: {  	[tilespmem:s17], [sflag:$0x4] =	stream.indirect.gather @!p1 [hbm4b:s2+s14], $0x80, s16, s14, $0xb8;
	[tilespmem:$0x19400] =	vst v63  }
0xc3: {  	s13 =	simm.s32 @!p2 $0x0;
	s14 =	simm.s32 @!p1 $0x4  }
0xc4: {  	[tilespmem:s13], [sflag:$0x1] =	stream.linear.gather @!p2 [hbm4b:s10+s13], $0x190, $0x38;
	[tilespmem:$0x19400] =	vst v63  }
0xc5: {  	_ =	swait.ge @!p1 [sflag:s14], $0x2800  }
0xc6: {  	s10 =	sand.u32 @!p1 $0xFFFC, s12;
	[sflag:s14] =	ssyncset.done @!p1 $0x0  }
0xc7: {  	s10 =	sshrl.u32 @!p1 s10, $0x2;
	[sflag:s14] =	ssyncadd.s32 @!p1 $0xFFFFD800  }
0xc8: {  	s10 =	smul.u32 @!p1 $0x20C5, s10;
	_ =	swait.ge @!p1 [sflag:s14], $0x2800  }
0xc9: {  	[sflag:s14] =	ssyncset.done @!p1 $0x0  }
0xca: {  	s10 =	sshrl.u32 @!p1 s10, $0x14;
	[sflag:s14] =	ssyncadd.s32 @!p1 $0xFFFFD800  }
0xcb: {  	s13 =	smul.u32 @!p1 $0x1F4, s10;
	_ =	swait.ge @!p1 [sflag:s14], $0x2800  }
0xcc: {  	[sflag:s14] =	ssyncset.done @!p1 $0x0  }
0xcd: {  	s12 =	ssub.s32 @!p1 s12, s13;
	[sflag:s14] =	ssyncadd.s32 @!p1 $0xFFFFD800  }
0xce: {  	s10 =	smul.u32 @!p1 $0x186A000, s10;
	s12 =	sand.u32 @!p1 $0xFFFF, s12;
	_ =	swait.ge @!p1 [sflag:s14], $0x2800  }
0xcf: {  	s12 =	smul.u32 @!p1 $0xC800, s12;
	[sflag:s14] =	ssyncset.done @!p1 $0x0  }
0xd0: {  	[sflag:s14] =	ssyncadd.s32 @!p1 $0xFFFFD800  }
0xd1: {  	s10 =	sadd.s32 @!p1 s12, s10;
	_ =	swait.ge @!p1 [sflag:s14], $0x2800  }
0xd2: {  	s10 =	sshrl.u32 @!p1 s10, $0x3;
	[sflag:s14] =	ssyncset.done @!p1 $0x0  }
0xd3: {  	s9 =	sadd.s32 $0x1, s9;
	s10 =	sadd.s32 @!p1 s3, s10;
	[sflag:s14] =	ssyncadd.s32 @!p1 $0xFFFFD800  }
0xd4: {  	[hbm4b:s10+s11] =	stream.linear.scatter @!p1 [tilespmem:s15], [sflag:$0x6], $0xC800, $0x38;
	[tilespmem:$0x19400] =	vst v63  }
0xd5: {  	p1 =	sne.s32 s9, s7  }
.Ltmp1:
0xd6: {  	_ = 	snop;
	(pc) =	sbr.rel @p1 .LBB2_1-.Ltmp1, $4  }
0xd7: {  	s10 =	simm.s32 @!p0 $0x5  }
0xd8: {  	_ =	swait.ge @!p0 [sflag:s10], $0xC800  }
0xd9: {  	[sflag:s10] =	ssyncset.done @!p0 $0x0  }
0xda: {  	[sflag:s10] =	ssyncadd.s32 @!p0 $0xFFFF3800  }
0xdb: {  	_ =	sfence.sel $0x180000  }
0xdc: {  	[bflag:$0x0] =	sbarrier.arrive $0xFFFF  }
0xdd: {  	p0 =	sne.s32 s0, $0x0;
	_ =	strace $0x90000047  }
0xde: {  	s0 =	sadd.s32 @!p0 $0x100000, s1;
	[bflag:$0x2] =	sbarrier.arrive $0xFFFF  }
0xdf: {  	[sflag:s0] =	ssyncadd.tile.s32 @!p0 $0x1;
	_ =	shalt  }
.Lfunc_end2:
_tile_overlayer_lowered:
.L_overlay_start_2:
0xe0: {  	(tag) =	ssettag $0x2  }
0xe1: {  	s0 =	rddreg [dreg:$0x0];
	s2 =	stileid.u32  }
0xe2: {  	s1 =	rddreg [dreg:$0x1];
	p0 =	sne.s32 s2, $0x0  }
0xe3: {  	s3 =	rddreg [dreg:$0x2];
	[bflag:$0x3] =	sbarrier.arrive $0xFFFF;
	s2 =	simm.s32 @!p0 $0x1C07  }
0xe4: {  	[timem:s3], [sflag:s2] =	dma.local @!p0 [hbm:s0], s1  }
0xe5: {  	s0 =	simm.s32 @!p0 $0x7  }
0xe6: {  	_ =	swait.ge @!p0 [sflag:s0], s1  }
0xe7: {  	s1 =	ssub.s32 @!p0 $0x0, s1;
	[sflag:s0] =	ssyncset.done @!p0 $0x0  }
0xe8: {  	[sflag:s0] =	ssyncadd.s32 @!p0 s1  }
0xe9: {  	[bflag:$0x3] =	sbarrier.arrive $0xFFFF  }
0xea: {  	_ =	shalt  }

</sc_bundles>
